<compile_context>
chip_gen: v7x
topology: tpu7x:2x2x1
jax: 0.10.2.dev20260603
libtpu: 0.0.44.dev20260713+nightly
codegen_flags: <defaults>
</compile_context>

<pallas_src>
import functools

import jax
import jax.numpy as jnp
import numpy as np
from jax import lax
from jax.experimental import pallas as pl
from jax.experimental.pallas import tpu as pltpu
from jax.experimental.pallas import tpu_sc as plsc

N_BINS = 15
INV_TEMP = 0.5
N_ROWS = 1_000_000
N_CLS = 100

RB = 20000
NB = N_ROWS // RB

NC = 2
NS = 16
NW = NC * NS
CHUNK = 32000
LAST_CHUNK = N_ROWS - (NW - 1) * CHUNK
NKEY = 32
ACC = NKEY * 16
PART_W = 2 * NKEY

_BOUNDS = np.linspace(0.0, 1.0, N_BINS + 1).astype(np.float32)


def _stage1_body(logits_ref, labels_ref, val_ref):
    xt = logits_ref[...].T
    m = jnp.max(xt, axis=0, keepdims=True)
    labels = labels_ref[0]
    onehot = lax.broadcasted_iota(jnp.int32, xt.shape, 0) == labels
    hit = jnp.where(onehot & (xt == m), 1.0, 0.0)
    c_log2e = jnp.float32(INV_TEMP * 1.4426950408889634)
    ex = jnp.exp2(xt * c_log2e - m * c_log2e)
    ones_v = jnp.ones((1, N_CLS), jnp.float32)
    corr = jnp.dot(ones_v, hit)
    s = jnp.dot(ones_v, ex)
    conf = 1.0 / s
    conf = jnp.where(conf == 1.0, jnp.float32(0.999999), conf)
    b = jnp.minimum(
        jnp.floor(conf * jnp.float32(N_BINS)).astype(jnp.int32), N_BINS - 1)
    key = b + 16 * corr.astype(jnp.int32)
    conf_packed = jnp.minimum(conf, jnp.float32(0.999998))
    val_ref[0] = key.astype(jnp.float32) + conf_packed


_stage1 = pl.pallas_call(
    _stage1_body,
    grid=(NB,),
    in_specs=[
        pl.BlockSpec((RB, N_CLS), lambda i: (i, 0)),
        pl.BlockSpec((1, 1, RB), lambda i: (i, 0, 0)),
    ],
    out_specs=pl.BlockSpec((1, 1, RB), lambda i: (i, 0, 0)),
    out_shape=jax.ShapeDtypeStruct((NB, 1, RB), jnp.float32),
    compiler_params=pltpu.CompilerParams(
        dimension_semantics=("parallel",)),
)


def _hist_body(val_hbm, out_hbm, val_v, acc_c, acc_f, part_v):
    c = lax.axis_index("c")
    s = lax.axis_index("s")
    wid = s * NC + c
    base = wid * CHUNK

    zero = jnp.zeros((16,), jnp.float32)
    for r in range(NKEY):
        acc_c[pl.ds(r * 16, 16)] = zero
        acc_f[pl.ds(r * 16, 16)] = zero

    lane = lax.iota(jnp.int32, 16)
    ones = jnp.full((16,), 1.0, jnp.float32)

    def body(j, carry):
        off = j * 16
        vv = val_v[pl.ds(off, 16)]
        kv = vv.astype(jnp.int32)
        cf = vv - kv.astype(jnp.float32)
        idx = kv * 16 + lane
        plsc.addupdate_scatter(acc_c, [idx], ones)
        plsc.addupdate_scatter(acc_f, [idx], cf)
        return carry

    @pl.when(wid < NW - 1)
    def _full():
        pltpu.sync_copy(val_hbm.at[pl.ds(base, CHUNK)], val_v)
        lax.fori_loop(0, CHUNK // 16, body, 0)

    @pl.when(wid == NW - 1)
    def _tail():
        pltpu.sync_copy(val_hbm.at[pl.ds(base, LAST_CHUNK)],
                        val_v.at[pl.ds(0, LAST_CHUNK)])
        lax.fori_loop(0, LAST_CHUNK // 16, body, 0)

    for h in range(2):
        tot_c = zero
        tot_f = zero
        for l in range(16):
            gi = (h * 16 + lane) * 16 + l
            tot_c = tot_c + plsc.load_gather(acc_c, [gi])
            tot_f = tot_f + plsc.load_gather(acc_f, [gi])
        part_v[pl.ds(h * 16, 16)] = tot_c
        part_v[pl.ds(NKEY + h * 16, 16)] = tot_f
    pltpu.sync_copy(part_v, out_hbm.at[pl.ds(wid * PART_W, PART_W)])


@functools.cache
def _get_hist():
    return pl.kernel(
        _hist_body,
        out_type=jax.ShapeDtypeStruct((NW * PART_W,), jnp.float32),
        mesh=plsc.VectorSubcoreMesh(core_axis_name="c", subcore_axis_name="s"),
        compiler_params=pltpu.CompilerParams(needs_layout_passes=False),
        scratch_types=[
            pltpu.VMEM((CHUNK,), jnp.float32),
            pltpu.VMEM((ACC,), jnp.float32),
            pltpu.VMEM((ACC,), jnp.float32),
            pltpu.VMEM((PART_W,), jnp.float32),
        ],
    )


def _combine_body(p_ref, out_ref):
    p = p_ref[...]
    row = lax.broadcasted_iota(jnp.int32, p.shape, 0) % 4
    cnt_lo = jnp.sum(jnp.where(row == 0, p, 0.0), axis=0)
    cnt_hi = jnp.sum(jnp.where(row == 1, p, 0.0), axis=0)
    cf_lo = jnp.sum(jnp.where(row == 2, p, 0.0), axis=0)
    cf_hi = jnp.sum(jnp.where(row == 3, p, 0.0), axis=0)
    cnt = cnt_lo + cnt_hi
    cf = cf_lo + cf_hi
    cr = cnt_hi
    safe = jnp.maximum(cnt, 1.0)
    acc = jnp.clip(cr / safe, 0.01, 0.99)
    avgc = cf / safe
    prop = cnt / jnp.float32(N_ROWS)
    contrib = jnp.where(cnt > 10.0, jnp.abs(avgc - acc) * prop, 0.0)
    lanei = lax.broadcasted_iota(jnp.int32, (16,), 0)
    contrib = jnp.where(lanei < N_BINS, contrib, 0.0)
    out_ref[...] = jnp.sum(contrib.reshape(1, 16), axis=1, keepdims=True)


_combine = pl.pallas_call(
    _combine_body,
    in_specs=[pl.BlockSpec((4 * NW, 16), lambda: (0, 0))],
    out_specs=pl.BlockSpec((1, 1), lambda: (0, 0)),
    out_shape=jax.ShapeDtypeStruct((1, 1), jnp.float32),
)


@jax.jit
def kernel(logits, labels):
    labels3 = labels.reshape(NB, 1, RB)
    vals = _stage1(logits, labels3)
    parts = _get_hist()(vals.reshape(N_ROWS))
    ece = _combine(parts.reshape(4 * NW, 16))
    return ece.reshape(1)

# --- scband reference (transcript-rebuilt; emitter-appended) ---
"""Pipeline reference for scband-temp-scaling-on-ece-85289460564444 (READ-ONLY COPY).

The authoritative reference and input builder live on the scoring server;
editing this copy changes nothing except your own understanding.
"""

import jax, jax.numpy as jnp
import numpy as np

N_BINS = 15
TEMPERATURE = 2.0


def setup_inputs(seed: int = 0) -> dict:
    key = jax.random.key(seed)
    k1, k2 = jax.random.split(key)
    logits = jax.random.normal(k1, (1000000, 100), dtype=jnp.float32)
    labels = jax.random.randint(k2, (1000000,), 0, 100, dtype=jnp.int32)
    return {"logits": logits, "labels": labels}


def reference(logits, labels):
    # Mirrors TempScalingOnECE.find_best_T's inner eval() at the initial
    # temperature T=2.0, i.e. ECELoss()(logits / T, labels).
    scaled = logits.astype(jnp.float32) / TEMPERATURE
    softmaxes = jax.nn.softmax(scaled, axis=1)
    confidences = jnp.max(softmaxes, axis=1)
    predictions = jnp.argmax(softmaxes, axis=1)
    correctness = (predictions == labels).astype(jnp.float32)
    confidences = jnp.where(confidences == 1.0, 0.999999, confidences)
    boundaries = jnp.linspace(0.0, 1.0, N_BINS + 1)
    n = confidences.shape[0]
    ece = jnp.zeros((1,), dtype=jnp.float32)
    for i in range(N_BINS):
        lo = boundaries[i]
        hi = boundaries[i + 1]
        in_bin = (confidences > lo) & (confidences <= hi)
        in_bin_f = in_bin.astype(jnp.float32)
        cnt = jnp.sum(in_bin_f)
        prop_in_bin = cnt / n
        safe_cnt = jnp.maximum(cnt, 1.0)
        accuracy_in_bin = jnp.sum(correctness * in_bin_f) / safe_cnt
        accuracy_in_bin = jnp.clip(accuracy_in_bin, 0.01, 0.99)
        avg_confidence_in_bin = jnp.sum(confidences * in_bin_f) / safe_cnt
        contrib = jnp.where(cnt > 10.0,
                            jnp.abs(avg_confidence_in_bin - accuracy_in_bin) * prop_in_bin,
                            0.0)
        ece = ece + contrib
    return ece

if __name__ == "__main__":
    import jax
    _d = setup_inputs()
    print(jax.jit(kernel)(*tuple(_d.values())))

</pallas_src>

<mosaic_0001>
#map = affine_map<(d0, d1) -> (0)>
module attributes {stable_mosaic.version = 14 : i64} {
  func.func @_hist_body(%arg0: i32, %arg1: i32, %arg2: memref<1000000xf32, #tpu.memory_space<hbm>>, %arg3: memref<2048xf32, #tpu.memory_space<hbm>>, %arg4: memref<32000xf32, #tpu.memory_space<vmem>>, %arg5: memref<512xf32, #tpu.memory_space<vmem>>, %arg6: memref<512xf32, #tpu.memory_space<vmem>>, %arg7: memref<64xf32, #tpu.memory_space<vmem>>) attributes {dimension_semantics = [#tpu.dimension_semantics<core_parallel>, #tpu.dimension_semantics<subcore_parallel>], iteration_bounds = array<i64: 2, 16>, scalar_prefetch = 0 : i64, scratch_operands = 4 : i64, tpu.core_type = #tpu.core_type<sc_vector_subcore>, window_params = [{transform_indices = #map}, {transform_indices = #map}]} {
    %mul3A = arith.constant 2 : i32
    %mul3A_0 = arith.muli %arg1, %mul3A : i32
    %add3A = arith.addi %mul3A_0, %arg0 : i32
    %mul3A_1 = arith.constant 32000 : i32
    %mul3A_2 = arith.muli %add3A, %mul3A_1 : i32
    %broadcast_in_dim3A = arith.constant 0.000000e+00 : f32
    %broadcast_in_dim3A_3 = vector.broadcast %broadcast_in_dim3A : f32 to vector<16xf32>
    %swap3A = arith.constant 0 : index
    %swap3A_4 = tpu.vector_load %arg5[%swap3A] {strides = array<i32>} : memref<512xf32, #tpu.memory_space<vmem>>, vector<16xf32>,
    tpu.vector_store %arg5[%swap3A], %broadcast_in_dim3A_3 {strides = array<i32>} : memref<512xf32, #tpu.memory_space<vmem>>, vector<16xf32>,
    %swap3A_5 = arith.constant 0 : index
    %swap3A_6 = tpu.vector_load %arg6[%swap3A_5] {strides = array<i32>} : memref<512xf32, #tpu.memory_space<vmem>>, vector<16xf32>,
    tpu.vector_store %arg6[%swap3A_5], %broadcast_in_dim3A_3 {strides = array<i32>} : memref<512xf32, #tpu.memory_space<vmem>>, vector<16xf32>,
    %swap3A_7 = arith.constant 16 : index
    %swap3A_8 = tpu.vector_load %arg5[%swap3A_7] {strides = array<i32>} : memref<512xf32, #tpu.memory_space<vmem>>, vector<16xf32>,
    tpu.vector_store %arg5[%swap3A_7], %broadcast_in_dim3A_3 {strides = array<i32>} : memref<512xf32, #tpu.memory_space<vmem>>, vector<16xf32>,
    %swap3A_9 = arith.constant 16 : index
    %swap3A_10 = tpu.vector_load %arg6[%swap3A_9] {strides = array<i32>} : memref<512xf32, #tpu.memory_space<vmem>>, vector<16xf32>,
    tpu.vector_store %arg6[%swap3A_9], %broadcast_in_dim3A_3 {strides = array<i32>} : memref<512xf32, #tpu.memory_space<vmem>>, vector<16xf32>,
    %swap3A_11 = arith.constant 32 : index
    %swap3A_12 = tpu.vector_load %arg5[%swap3A_11] {strides = array<i32>} : memref<512xf32, #tpu.memory_space<vmem>>, vector<16xf32>,
    tpu.vector_store %arg5[%swap3A_11], %broadcast_in_dim3A_3 {strides = array<i32>} : memref<512xf32, #tpu.memory_space<vmem>>, vector<16xf32>,
    %swap3A_13 = arith.constant 32 : index
    %swap3A_14 = tpu.vector_load %arg6[%swap3A_13] {strides = array<i32>} : memref<512xf32, #tpu.memory_space<vmem>>, vector<16xf32>,
    tpu.vector_store %arg6[%swap3A_13], %broadcast_in_dim3A_3 {strides = array<i32>} : memref<512xf32, #tpu.memory_space<vmem>>, vector<16xf32>,
    %swap3A_15 = arith.constant 48 : index
    %swap3A_16 = tpu.vector_load %arg5[%swap3A_15] {strides = array<i32>} : memref<512xf32, #tpu.memory_space<vmem>>, vector<16xf32>,
    tpu.vector_store %arg5[%swap3A_15], %broadcast_in_dim3A_3 {strides = array<i32>} : memref<512xf32, #tpu.memory_space<vmem>>, vector<16xf32>,
    %swap3A_17 = arith.constant 48 : index
    %swap3A_18 = tpu.vector_load %arg6[%swap3A_17] {strides = array<i32>} : memref<512xf32, #tpu.memory_space<vmem>>, vector<16xf32>,
    tpu.vector_store %arg6[%swap3A_17], %broadcast_in_dim3A_3 {strides = array<i32>} : memref<512xf32, #tpu.memory_space<vmem>>, vector<16xf32>,
    %swap3A_19 = arith.constant 64 : index
    %swap3A_20 = tpu.vector_load %arg5[%swap3A_19] {strides = array<i32>} : memref<512xf32, #tpu.memory_space<vmem>>, vector<16xf32>,
    tpu.vector_store %arg5[%swap3A_19], %broadcast_in_dim3A_3 {strides = array<i32>} : memref<512xf32, #tpu.memory_space<vmem>>, vector<16xf32>,
    %swap3A_21 = arith.constant 64 : index
    %swap3A_22 = tpu.vector_load %arg6[%swap3A_21] {strides = array<i32>} : memref<512xf32, #tpu.memory_space<vmem>>, vector<16xf32>,
    tpu.vector_store %arg6[%swap3A_21], %broadcast_in_dim3A_3 {strides = array<i32>} : memref<512xf32, #tpu.memory_space<vmem>>, vector<16xf32>,
    %swap3A_23 = arith.constant 80 : index
    %swap3A_24 = tpu.vector_load %arg5[%swap3A_23] {strides = array<i32>} : memref<512xf32, #tpu.memory_space<vmem>>, vector<16xf32>,
    tpu.vector_store %arg5[%swap3A_23], %broadcast_in_dim3A_3 {strides = array<i32>} : memref<512xf32, #tpu.memory_space<vmem>>, vector<16xf32>,
    %swap3A_25 = arith.constant 80 : index
    %swap3A_26 = tpu.vector_load %arg6[%swap3A_25] {strides = array<i32>} : memref<512xf32, #tpu.memory_space<vmem>>, vector<16xf32>,
    tpu.vector_store %arg6[%swap3A_25], %broadcast_in_dim3A_3 {strides = array<i32>} : memref<512xf32, #tpu.memory_space<vmem>>, vector<16xf32>,
    %swap3A_27 = arith.constant 96 : index
    %swap3A_28 = tpu.vector_load %arg5[%swap3A_27] {strides = array<i32>} : memref<512xf32, #tpu.memory_space<vmem>>, vector<16xf32>,
    tpu.vector_store %arg5[%swap3A_27], %broadcast_in_dim3A_3 {strides = array<i32>} : memref<512xf32, #tpu.memory_space<vmem>>, vector<16xf32>,
    %swap3A_29 = arith.constant 96 : index
    %swap3A_30 = tpu.vector_load %arg6[%swap3A_29] {strides = array<i32>} : memref<512xf32, #tpu.memory_space<vmem>>, vector<16xf32>,
    tpu.vector_store %arg6[%swap3A_29], %broadcast_in_dim3A_3 {strides = array<i32>} : memref<512xf32, #tpu.memory_space<vmem>>, vector<16xf32>,
    %swap3A_31 = arith.constant 112 : index
    %swap3A_32 = tpu.vector_load %arg5[%swap3A_31] {strides = array<i32>} : memref<512xf32, #tpu.memory_space<vmem>>, vector<16xf32>,
    tpu.vector_store %arg5[%swap3A_31], %broadcast_in_dim3A_3 {strides = array<i32>} : memref<512xf32, #tpu.memory_space<vmem>>, vector<16xf32>,
    %swap3A_33 = arith.constant 112 : index
    %swap3A_34 = tpu.vector_load %arg6[%swap3A_33] {strides = array<i32>} : memref<512xf32, #tpu.memory_space<vmem>>, vector<16xf32>,
    tpu.vector_store %arg6[%swap3A_33], %broadcast_in_dim3A_3 {strides = array<i32>} : memref<512xf32, #tpu.memory_space<vmem>>, vector<16xf32>,
    %swap3A_35 = arith.constant 128 : index
    %swap3A_36 = tpu.vector_load %arg5[%swap3A_35] {strides = array<i32>} : memref<512xf32, #tpu.memory_space<vmem>>, vector<16xf32>,
    tpu.vector_store %arg5[%swap3A_35], %broadcast_in_dim3A_3 {strides = array<i32>} : memref<512xf32, #tpu.memory_space<vmem>>, vector<16xf32>,
    %swap3A_37 = arith.constant 128 : index
    %swap3A_38 = tpu.vector_load %arg6[%swap3A_37] {strides = array<i32>} : memref<512xf32, #tpu.memory_space<vmem>>, vector<16xf32>,
    tpu.vector_store %arg6[%swap3A_37], %broadcast_in_dim3A_3 {strides = array<i32>} : memref<512xf32, #tpu.memory_space<vmem>>, vector<16xf32>,
    %swap3A_39 = arith.constant 144 : index
    %swap3A_40 = tpu.vector_load %arg5[%swap3A_39] {strides = array<i32>} : memref<512xf32, #tpu.memory_space<vmem>>, vector<16xf32>,
    tpu.vector_store %arg5[%swap3A_39], %broadcast_in_dim3A_3 {strides = array<i32>} : memref<512xf32, #tpu.memory_space<vmem>>, vector<16xf32>,
    %swap3A_41 = arith.constant 144 : index
    %swap3A_42 = tpu.vector_load %arg6[%swap3A_41] {strides = array<i32>} : memref<512xf32, #tpu.memory_space<vmem>>, vector<16xf32>,
    tpu.vector_store %arg6[%swap3A_41], %broadcast_in_dim3A_3 {strides = array<i32>} : memref<512xf32, #tpu.memory_space<vmem>>, vector<16xf32>,
    %swap3A_43 = arith.constant 160 : index
    %swap3A_44 = tpu.vector_load %arg5[%swap3A_43] {strides = array<i32>} : memref<512xf32, #tpu.memory_space<vmem>>, vector<16xf32>,
    tpu.vector_store %arg5[%swap3A_43], %broadcast_in_dim3A_3 {strides = array<i32>} : memref<512xf32, #tpu.memory_space<vmem>>, vector<16xf32>,
    %swap3A_45 = arith.constant 160 : index
    %swap3A_46 = tpu.vector_load %arg6[%swap3A_45] {strides = array<i32>} : memref<512xf32, #tpu.memory_space<vmem>>, vector<16xf32>,
    tpu.vector_store %arg6[%swap3A_45], %broadcast_in_dim3A_3 {strides = array<i32>} : memref<512xf32, #tpu.memory_space<vmem>>, vector<16xf32>,
    %swap3A_47 = arith.constant 176 : index
    %swap3A_48 = tpu.vector_load %arg5[%swap3A_47] {strides = array<i32>} : memref<512xf32, #tpu.memory_space<vmem>>, vector<16xf32>,
    tpu.vector_store %arg5[%swap3A_47], %broadcast_in_dim3A_3 {strides = array<i32>} : memref<512xf32, #tpu.memory_space<vmem>>, vector<16xf32>,
    %swap3A_49 = arith.constant 176 : index
    %swap3A_50 = tpu.vector_load %arg6[%swap3A_49] {strides = array<i32>} : memref<512xf32, #tpu.memory_space<vmem>>, vector<16xf32>,
    tpu.vector_store %arg6[%swap3A_49], %broadcast_in_dim3A_3 {strides = array<i32>} : memref<512xf32, #tpu.memory_space<vmem>>, vector<16xf32>,
    %swap3A_51 = arith.constant 192 : index
    %swap3A_52 = tpu.vector_load %arg5[%swap3A_51] {strides = array<i32>} : memref<512xf32, #tpu.memory_space<vmem>>, vector<16xf32>,
    tpu.vector_store %arg5[%swap3A_51], %broadcast_in_dim3A_3 {strides = array<i32>} : memref<512xf32, #tpu.memory_space<vmem>>, vector<16xf32>,
    %swap3A_53 = arith.constant 192 : index
    %swap3A_54 = tpu.vector_load %arg6[%swap3A_53] {strides = array<i32>} : memref<512xf32, #tpu.memory_space<vmem>>, vector<16xf32>,
    tpu.vector_store %arg6[%swap3A_53], %broadcast_in_dim3A_3 {strides = array<i32>} : memref<512xf32, #tpu.memory_space<vmem>>, vector<16xf32>,
    %swap3A_55 = arith.constant 208 : index
    %swap3A_56 = tpu.vector_load %arg5[%swap3A_55] {strides = array<i32>} : memref<512xf32, #tpu.memory_space<vmem>>, vector<16xf32>,
    tpu.vector_store %arg5[%swap3A_55], %broadcast_in_dim3A_3 {strides = array<i32>} : memref<512xf32, #tpu.memory_space<vmem>>, vector<16xf32>,
    %swap3A_57 = arith.constant 208 : index
    %swap3A_58 = tpu.vector_load %arg6[%swap3A_57] {strides = array<i32>} : memref<512xf32, #tpu.memory_space<vmem>>, vector<16xf32>,
    tpu.vector_store %arg6[%swap3A_57], %broadcast_in_dim3A_3 {strides = array<i32>} : memref<512xf32, #tpu.memory_space<vmem>>, vector<16xf32>,
    %swap3A_59 = arith.constant 224 : index
    %swap3A_60 = tpu.vector_load %arg5[%swap3A_59] {strides = array<i32>} : memref<512xf32, #tpu.memory_space<vmem>>, vector<16xf32>,
    tpu.vector_store %arg5[%swap3A_59], %broadcast_in_dim3A_3 {strides = array<i32>} : memref<512xf32, #tpu.memory_space<vmem>>, vector<16xf32>,
    %swap3A_61 = arith.constant 224 : index
    %swap3A_62 = tpu.vector_load %arg6[%swap3A_61] {strides = array<i32>} : memref<512xf32, #tpu.memory_space<vmem>>, vector<16xf32>,
    tpu.vector_store %arg6[%swap3A_61], %broadcast_in_dim3A_3 {strides = array<i32>} : memref<512xf32, #tpu.memory_space<vmem>>, vector<16xf32>,
    %swap3A_63 = arith.constant 240 : index
    %swap3A_64 = tpu.vector_load %arg5[%swap3A_63] {strides = array<i32>} : memref<512xf32, #tpu.memory_space<vmem>>, vector<16xf32>,
    tpu.vector_store %arg5[%swap3A_63], %broadcast_in_dim3A_3 {strides = array<i32>} : memref<512xf32, #tpu.memory_space<vmem>>, vector<16xf32>,
    %swap3A_65 = arith.constant 240 : index
    %swap3A_66 = tpu.vector_load %arg6[%swap3A_65] {strides = array<i32>} : memref<512xf32, #tpu.memory_space<vmem>>, vector<16xf32>,
    tpu.vector_store %arg6[%swap3A_65], %broadcast_in_dim3A_3 {strides = array<i32>} : memref<512xf32, #tpu.memory_space<vmem>>, vector<16xf32>,
    %swap3A_67 = arith.constant 256 : index
    %swap3A_68 = tpu.vector_load %arg5[%swap3A_67] {strides = array<i32>} : memref<512xf32, #tpu.memory_space<vmem>>, vector<16xf32>,
    tpu.vector_store %arg5[%swap3A_67], %broadcast_in_dim3A_3 {strides = array<i32>} : memref<512xf32, #tpu.memory_space<vmem>>, vector<16xf32>,
    %swap3A_69 = arith.constant 256 : index
    %swap3A_70 = tpu.vector_load %arg6[%swap3A_69] {strides = array<i32>} : memref<512xf32, #tpu.memory_space<vmem>>, vector<16xf32>,
    tpu.vector_store %arg6[%swap3A_69], %broadcast_in_dim3A_3 {strides = array<i32>} : memref<512xf32, #tpu.memory_space<vmem>>, vector<16xf32>,
    %swap3A_71 = arith.constant 272 : index
    %swap3A_72 = tpu.vector_load %arg5[%swap3A_71] {strides = array<i32>} : memref<512xf32, #tpu.memory_space<vmem>>, vector<16xf32>,
    tpu.vector_store %arg5[%swap3A_71], %broadcast_in_dim3A_3 {strides = array<i32>} : memref<512xf32, #tpu.memory_space<vmem>>, vector<16xf32>,
    %swap3A_73 = arith.constant 272 : index
    %swap3A_74 = tpu.vector_load %arg6[%swap3A_73] {strides = array<i32>} : memref<512xf32, #tpu.memory_space<vmem>>, vector<16xf32>,
    tpu.vector_store %arg6[%swap3A_73], %broadcast_in_dim3A_3 {strides = array<i32>} : memref<512xf32, #tpu.memory_space<vmem>>, vector<16xf32>,
    %swap3A_75 = arith.constant 288 : index
    %swap3A_76 = tpu.vector_load %arg5[%swap3A_75] {strides = array<i32>} : memref<512xf32, #tpu.memory_space<vmem>>, vector<16xf32>,
    tpu.vector_store %arg5[%swap3A_75], %broadcast_in_dim3A_3 {strides = array<i32>} : memref<512xf32, #tpu.memory_space<vmem>>, vector<16xf32>,
    %swap3A_77 = arith.constant 288 : index
    %swap3A_78 = tpu.vector_load %arg6[%swap3A_77] {strides = array<i32>} : memref<512xf32, #tpu.memory_space<vmem>>, vector<16xf32>,
    tpu.vector_store %arg6[%swap3A_77], %broadcast_in_dim3A_3 {strides = array<i32>} : memref<512xf32, #tpu.memory_space<vmem>>, vector<16xf32>,
    %swap3A_79 = arith.constant 304 : index
    %swap3A_80 = tpu.vector_load %arg5[%swap3A_79] {strides = array<i32>} : memref<512xf32, #tpu.memory_space<vmem>>, vector<16xf32>,
    tpu.vector_store %arg5[%swap3A_79], %broadcast_in_dim3A_3 {strides = array<i32>} : memref<512xf32, #tpu.memory_space<vmem>>, vector<16xf32>,
    %swap3A_81 = arith.constant 304 : index
    %swap3A_82 = tpu.vector_load %arg6[%swap3A_81] {strides = array<i32>} : memref<512xf32, #tpu.memory_space<vmem>>, vector<16xf32>,
    tpu.vector_store %arg6[%swap3A_81], %broadcast_in_dim3A_3 {strides = array<i32>} : memref<512xf32, #tpu.memory_space<vmem>>, vector<16xf32>,
    %swap3A_83 = arith.constant 320 : index
    %swap3A_84 = tpu.vector_load %arg5[%swap3A_83] {strides = array<i32>} : memref<512xf32, #tpu.memory_space<vmem>>, vector<16xf32>,
    tpu.vector_store %arg5[%swap3A_83], %broadcast_in_dim3A_3 {strides = array<i32>} : memref<512xf32, #tpu.memory_space<vmem>>, vector<16xf32>,
    %swap3A_85 = arith.constant 320 : index
    %swap3A_86 = tpu.vector_load %arg6[%swap3A_85] {strides = array<i32>} : memref<512xf32, #tpu.memory_space<vmem>>, vector<16xf32>,
    tpu.vector_store %arg6[%swap3A_85], %broadcast_in_dim3A_3 {strides = array<i32>} : memref<512xf32, #tpu.memory_space<vmem>>, vector<16xf32>,
    %swap3A_87 = arith.constant 336 : index
    %swap3A_88 = tpu.vector_load %arg5[%swap3A_87] {strides = array<i32>} : memref<512xf32, #tpu.memory_space<vmem>>, vector<16xf32>,
    tpu.vector_store %arg5[%swap3A_87], %broadcast_in_dim3A_3 {strides = array<i32>} : memref<512xf32, #tpu.memory_space<vmem>>, vector<16xf32>,
    %swap3A_89 = arith.constant 336 : index
    %swap3A_90 = tpu.vector_load %arg6[%swap3A_89] {strides = array<i32>} : memref<512xf32, #tpu.memory_space<vmem>>, vector<16xf32>,
    tpu.vector_store %arg6[%swap3A_89], %broadcast_in_dim3A_3 {strides = array<i32>} : memref<512xf32, #tpu.memory_space<vmem>>, vector<16xf32>,
    %swap3A_91 = arith.constant 352 : index
    %swap3A_92 = tpu.vector_load %arg5[%swap3A_91] {strides = array<i32>} : memref<512xf32, #tpu.memory_space<vmem>>, vector<16xf32>,
    tpu.vector_store %arg5[%swap3A_91], %broadcast_in_dim3A_3 {strides = array<i32>} : memref<512xf32, #tpu.memory_space<vmem>>, vector<16xf32>,
    %swap3A_93 = arith.constant 352 : index
    %swap3A_94 = tpu.vector_load %arg6[%swap3A_93] {strides = array<i32>} : memref<512xf32, #tpu.memory_space<vmem>>, vector<16xf32>,
    tpu.vector_store %arg6[%swap3A_93], %broadcast_in_dim3A_3 {strides = array<i32>} : memref<512xf32, #tpu.memory_space<vmem>>, vector<16xf32>,
    %swap3A_95 = arith.constant 368 : index
    %swap3A_96 = tpu.vector_load %arg5[%swap3A_95] {strides = array<i32>} : memref<512xf32, #tpu.memory_space<vmem>>, vector<16xf32>,
    tpu.vector_store %arg5[%swap3A_95], %broadcast_in_dim3A_3 {strides = array<i32>} : memref<512xf32, #tpu.memory_space<vmem>>, vector<16xf32>,
    %swap3A_97 = arith.constant 368 : index
    %swap3A_98 = tpu.vector_load %arg6[%swap3A_97] {strides = array<i32>} : memref<512xf32, #tpu.memory_space<vmem>>, vector<16xf32>,
    tpu.vector_store %arg6[%swap3A_97], %broadcast_in_dim3A_3 {strides = array<i32>} : memref<512xf32, #tpu.memory_space<vmem>>, vector<16xf32>,
    %swap3A_99 = arith.constant 384 : index
    %swap3A_100 = tpu.vector_load %arg5[%swap3A_99] {strides = array<i32>} : memref<512xf32, #tpu.memory_space<vmem>>, vector<16xf32>,
    tpu.vector_store %arg5[%swap3A_99], %broadcast_in_dim3A_3 {strides = array<i32>} : memref<512xf32, #tpu.memory_space<vmem>>, vector<16xf32>,
    %swap3A_101 = arith.constant 384 : index
    %swap3A_102 = tpu.vector_load %arg6[%swap3A_101] {strides = array<i32>} : memref<512xf32, #tpu.memory_space<vmem>>, vector<16xf32>,
    tpu.vector_store %arg6[%swap3A_101], %broadcast_in_dim3A_3 {strides = array<i32>} : memref<512xf32, #tpu.memory_space<vmem>>, vector<16xf32>,
    %swap3A_103 = arith.constant 400 : index
    %swap3A_104 = tpu.vector_load %arg5[%swap3A_103] {strides = array<i32>} : memref<512xf32, #tpu.memory_space<vmem>>, vector<16xf32>,
    tpu.vector_store %arg5[%swap3A_103], %broadcast_in_dim3A_3 {strides = array<i32>} : memref<512xf32, #tpu.memory_space<vmem>>, vector<16xf32>,
    %swap3A_105 = arith.constant 400 : index
    %swap3A_106 = tpu.vector_load %arg6[%swap3A_105] {strides = array<i32>} : memref<512xf32, #tpu.memory_space<vmem>>, vector<16xf32>,
    tpu.vector_store %arg6[%swap3A_105], %broadcast_in_dim3A_3 {strides = array<i32>} : memref<512xf32, #tpu.memory_space<vmem>>, vector<16xf32>,
    %swap3A_107 = arith.constant 416 : index
    %swap3A_108 = tpu.vector_load %arg5[%swap3A_107] {strides = array<i32>} : memref<512xf32, #tpu.memory_space<vmem>>, vector<16xf32>,
    tpu.vector_store %arg5[%swap3A_107], %broadcast_in_dim3A_3 {strides = array<i32>} : memref<512xf32, #tpu.memory_space<vmem>>, vector<16xf32>,
    %swap3A_109 = arith.constant 416 : index
    %swap3A_110 = tpu.vector_load %arg6[%swap3A_109] {strides = array<i32>} : memref<512xf32, #tpu.memory_space<vmem>>, vector<16xf32>,
    tpu.vector_store %arg6[%swap3A_109], %broadcast_in_dim3A_3 {strides = array<i32>} : memref<512xf32, #tpu.memory_space<vmem>>, vector<16xf32>,
    %swap3A_111 = arith.constant 432 : index
    %swap3A_112 = tpu.vector_load %arg5[%swap3A_111] {strides = array<i32>} : memref<512xf32, #tpu.memory_space<vmem>>, vector<16xf32>,
    tpu.vector_store %arg5[%swap3A_111], %broadcast_in_dim3A_3 {strides = array<i32>} : memref<512xf32, #tpu.memory_space<vmem>>, vector<16xf32>,
    %swap3A_113 = arith.constant 432 : index
    %swap3A_114 = tpu.vector_load %arg6[%swap3A_113] {strides = array<i32>} : memref<512xf32, #tpu.memory_space<vmem>>, vector<16xf32>,
    tpu.vector_store %arg6[%swap3A_113], %broadcast_in_dim3A_3 {strides = array<i32>} : memref<512xf32, #tpu.memory_space<vmem>>, vector<16xf32>,
    %swap3A_115 = arith.constant 448 : index
    %swap3A_116 = tpu.vector_load %arg5[%swap3A_115] {strides = array<i32>} : memref<512xf32, #tpu.memory_space<vmem>>, vector<16xf32>,
    tpu.vector_store %arg5[%swap3A_115], %broadcast_in_dim3A_3 {strides = array<i32>} : memref<512xf32, #tpu.memory_space<vmem>>, vector<16xf32>,
    %swap3A_117 = arith.constant 448 : index
    %swap3A_118 = tpu.vector_load %arg6[%swap3A_117] {strides = array<i32>} : memref<512xf32, #tpu.memory_space<vmem>>, vector<16xf32>,
    tpu.vector_store %arg6[%swap3A_117], %broadcast_in_dim3A_3 {strides = array<i32>} : memref<512xf32, #tpu.memory_space<vmem>>, vector<16xf32>,
    %swap3A_119 = arith.constant 464 : index
    %swap3A_120 = tpu.vector_load %arg5[%swap3A_119] {strides = array<i32>} : memref<512xf32, #tpu.memory_space<vmem>>, vector<16xf32>,
    tpu.vector_store %arg5[%swap3A_119], %broadcast_in_dim3A_3 {strides = array<i32>} : memref<512xf32, #tpu.memory_space<vmem>>, vector<16xf32>,
    %swap3A_121 = arith.constant 464 : index
    %swap3A_122 = tpu.vector_load %arg6[%swap3A_121] {strides = array<i32>} : memref<512xf32, #tpu.memory_space<vmem>>, vector<16xf32>,
    tpu.vector_store %arg6[%swap3A_121], %broadcast_in_dim3A_3 {strides = array<i32>} : memref<512xf32, #tpu.memory_space<vmem>>, vector<16xf32>,
    %swap3A_123 = arith.constant 480 : index
    %swap3A_124 = tpu.vector_load %arg5[%swap3A_123] {strides = array<i32>} : memref<512xf32, #tpu.memory_space<vmem>>, vector<16xf32>,
    tpu.vector_store %arg5[%swap3A_123], %broadcast_in_dim3A_3 {strides = array<i32>} : memref<512xf32, #tpu.memory_space<vmem>>, vector<16xf32>,
    %swap3A_125 = arith.constant 480 : index
    %swap3A_126 = tpu.vector_load %arg6[%swap3A_125] {strides = array<i32>} : memref<512xf32, #tpu.memory_space<vmem>>, vector<16xf32>,
    tpu.vector_store %arg6[%swap3A_125], %broadcast_in_dim3A_3 {strides = array<i32>} : memref<512xf32, #tpu.memory_space<vmem>>, vector<16xf32>,
    %swap3A_127 = arith.constant 496 : index
    %swap3A_128 = tpu.vector_load %arg5[%swap3A_127] {strides = array<i32>} : memref<512xf32, #tpu.memory_space<vmem>>, vector<16xf32>,
    tpu.vector_store %arg5[%swap3A_127], %broadcast_in_dim3A_3 {strides = array<i32>} : memref<512xf32, #tpu.memory_space<vmem>>, vector<16xf32>,
    %swap3A_129 = arith.constant 496 : index
    %swap3A_130 = tpu.vector_load %arg6[%swap3A_129] {strides = array<i32>} : memref<512xf32, #tpu.memory_space<vmem>>, vector<16xf32>,
    tpu.vector_store %arg6[%swap3A_129], %broadcast_in_dim3A_3 {strides = array<i32>} : memref<512xf32, #tpu.memory_space<vmem>>, vector<16xf32>,
    %iota3A = tpu.iota {dimensions = array<i32: 0>} : vector<16xi32>
    %broadcast_in_dim3A_131 = arith.constant 1.000000e+00 : f32
    %broadcast_in_dim3A_132 = vector.broadcast %broadcast_in_dim3A_131 : f32 to vector<16xf32>
    %lt3A = arith.constant 31 : i32
    %lt3A_133 = arith.cmpi slt, %add3A, %lt3A : i32
    %convert_element_type3A = arith.extui %lt3A_133 : i1 to i32
    %cond3A = arith.constant 0 : i32
    %cond3A_134 = arith.cmpi ne, %convert_element_type3A, %cond3A : i32
    scf.if %cond3A_134 {
      "tpu.region"() ({
        %run_scoped3A = tpu.sem_alloc : memref<!tpu.dma_semaphore, #tpu.memory_space<semaphore_mem>>
        %dma_start3A = tpu.memref_slice %arg2[%mul3A_2] : memref<1000000xf32, #tpu.memory_space<hbm>> -> memref<32000xf32, #tpu.memory_space<hbm>>
        %dma_start3A_569 = tpu.memref_slice %arg2[%mul3A_2] : memref<1000000xf32, #tpu.memory_space<hbm>> -> memref<32000xf32, #tpu.memory_space<hbm>>
        tpu.enqueue_dma source(%dma_start3A_569 : memref<32000xf32, #tpu.memory_space<hbm>>) target(%arg4 : memref<32000xf32, #tpu.memory_space<vmem>>) target_semaphore(%run_scoped3A : memref<!tpu.dma_semaphore, #tpu.memory_space<semaphore_mem>>)
        %dma_wait3A = tpu.memref_slice %arg2[%mul3A_2] : memref<1000000xf32, #tpu.memory_space<hbm>> -> memref<32000xf32, #tpu.memory_space<hbm>>
        %dma_wait3A_570 = tpu.memref_slice %arg2[%mul3A_2] : memref<1000000xf32, #tpu.memory_space<hbm>> -> memref<32000xf32, #tpu.memory_space<hbm>>
        tpu.wait_dma2 semaphore(%run_scoped3A : memref<!tpu.dma_semaphore, #tpu.memory_space<semaphore_mem>>) src(%dma_wait3A_570 : memref<32000xf32, #tpu.memory_space<hbm>>) dst(%arg4 : memref<32000xf32, #tpu.memory_space<vmem>>)
        tpu.yield
      }) : () -> ()
      %scan3A = arith.constant 0 : i32
      %scan3A_564 = arith.constant 0 : i32
      %scan3A_565 = arith.constant 2000 : i32
      %scan3A_566 = arith.addi %scan3A_564, %scan3A_565 : i32
      %scan3A_567 = arith.constant 1 : i32
      scf.for %scan3A_569 = %scan3A_564 to %scan3A_566 step %scan3A_567  : i32 {
        %mul3A_570 = arith.constant 16 : i32
        %mul3A_571 = arith.muli %scan3A_569, %mul3A_570 : i32
        %get3A = arith.index_cast %mul3A_571 : i32 to index
        %get3A_572 = tpu.vector_load %arg4[%get3A] {strides = array<i32>} : memref<32000xf32, #tpu.memory_space<vmem>>, vector<16xf32>,
        %convert_element_type3A_573 = arith.fptosi %get3A_572 : vector<16xf32> to vector<16xi32>
        %convert_element_type3A_574 = arith.sitofp %convert_element_type3A_573 : vector<16xi32> to vector<16xf32>
        %sub3A = arith.subf %get3A_572, %convert_element_type3A_574 : vector<16xf32>
        %mul3A_575 = arith.constant 16 : i32
        %mul3A_576 = vector.broadcast %mul3A_575 : i32 to vector<16xi32>
        %mul3A_577 = arith.muli %convert_element_type3A_573, %mul3A_576 : vector<16xi32>
        %add3A_578 = arith.addi %mul3A_577, %iota3A : vector<16xi32>
        tpu.vector_store_idx %arg5[%add3A_578], %broadcast_in_dim3A_132 {add = true} : memref<512xf32, #tpu.memory_space<vmem>>[vector<16xi32>], vector<16xf32>,
        tpu.vector_store_idx %arg6[%add3A_578], %sub3A {add = true} : memref<512xf32, #tpu.memory_space<vmem>>[vector<16xi32>], vector<16xf32>,
      }
      %scan3A_568 = arith.constant 2000 : i32
    } else {
    }
    %eq3A = arith.constant 31 : i32
    %eq3A_135 = arith.cmpi eq, %add3A, %eq3A : i32
    %convert_element_type3A_136 = arith.extui %eq3A_135 : i1 to i32
    %cond3A_137 = arith.constant 0 : i32
    %cond3A_138 = arith.cmpi ne, %convert_element_type3A_136, %cond3A_137 : i32
    scf.if %cond3A_138 {
      "tpu.region"() ({
        %run_scoped3A = tpu.sem_alloc : memref<!tpu.dma_semaphore, #tpu.memory_space<semaphore_mem>>
        %dma_start3A = arith.constant 0 : i32
        %dma_start3A_569 = tpu.memref_slice %arg4[%dma_start3A] : memref<32000xf32, #tpu.memory_space<vmem>> -> memref<8000xf32, #tpu.memory_space<vmem>>
        %dma_start3A_570 = tpu.memref_slice %arg2[%mul3A_2] : memref<1000000xf32, #tpu.memory_space<hbm>> -> memref<8000xf32, #tpu.memory_space<hbm>>
        %dma_start3A_571 = arith.constant 0 : i32
        %dma_start3A_572 = tpu.memref_slice %arg4[%dma_start3A_571] : memref<32000xf32, #tpu.memory_space<vmem>> -> memref<8000xf32, #tpu.memory_space<vmem>>
        %dma_start3A_573 = tpu.memref_slice %arg2[%mul3A_2] : memref<1000000xf32, #tpu.memory_space<hbm>> -> memref<8000xf32, #tpu.memory_space<hbm>>
        tpu.enqueue_dma source(%dma_start3A_573 : memref<8000xf32, #tpu.memory_space<hbm>>) target(%dma_start3A_572 : memref<8000xf32, #tpu.memory_space<vmem>>) target_semaphore(%run_scoped3A : memref<!tpu.dma_semaphore, #tpu.memory_space<semaphore_mem>>)
        %dma_wait3A = arith.constant 0 : i32
        %dma_wait3A_574 = tpu.memref_slice %arg4[%dma_wait3A] : memref<32000xf32, #tpu.memory_space<vmem>> -> memref<8000xf32, #tpu.memory_space<vmem>>
        %dma_wait3A_575 = tpu.memref_slice %arg2[%mul3A_2] : memref<1000000xf32, #tpu.memory_space<hbm>> -> memref<8000xf32, #tpu.memory_space<hbm>>
        %dma_wait3A_576 = arith.constant 0 : i32
        %dma_wait3A_577 = tpu.memref_slice %arg4[%dma_wait3A_576] : memref<32000xf32, #tpu.memory_space<vmem>> -> memref<8000xf32, #tpu.memory_space<vmem>>
        %dma_wait3A_578 = tpu.memref_slice %arg2[%mul3A_2] : memref<1000000xf32, #tpu.memory_space<hbm>> -> memref<8000xf32, #tpu.memory_space<hbm>>
        tpu.wait_dma2 semaphore(%run_scoped3A : memref<!tpu.dma_semaphore, #tpu.memory_space<semaphore_mem>>) src(%dma_wait3A_578 : memref<8000xf32, #tpu.memory_space<hbm>>) dst(%dma_wait3A_577 : memref<8000xf32, #tpu.memory_space<vmem>>)
        tpu.yield
      }) : () -> ()
      %scan3A = arith.constant 0 : i32
      %scan3A_564 = arith.constant 0 : i32
      %scan3A_565 = arith.constant 500 : i32
      %scan3A_566 = arith.addi %scan3A_564, %scan3A_565 : i32
      %scan3A_567 = arith.constant 1 : i32
      scf.for %scan3A_569 = %scan3A_564 to %scan3A_566 step %scan3A_567  : i32 {
        %mul3A_570 = arith.constant 16 : i32
        %mul3A_571 = arith.muli %scan3A_569, %mul3A_570 : i32
        %get3A = arith.index_cast %mul3A_571 : i32 to index
        %get3A_572 = tpu.vector_load %arg4[%get3A] {strides = array<i32>} : memref<32000xf32, #tpu.memory_space<vmem>>, vector<16xf32>,
        %convert_element_type3A_573 = arith.fptosi %get3A_572 : vector<16xf32> to vector<16xi32>
        %convert_element_type3A_574 = arith.sitofp %convert_element_type3A_573 : vector<16xi32> to vector<16xf32>
        %sub3A = arith.subf %get3A_572, %convert_element_type3A_574 : vector<16xf32>
        %mul3A_575 = arith.constant 16 : i32
        %mul3A_576 = vector.broadcast %mul3A_575 : i32 to vector<16xi32>
        %mul3A_577 = arith.muli %convert_element_type3A_573, %mul3A_576 : vector<16xi32>
        %add3A_578 = arith.addi %mul3A_577, %iota3A : vector<16xi32>
        tpu.vector_store_idx %arg5[%add3A_578], %broadcast_in_dim3A_132 {add = true} : memref<512xf32, #tpu.memory_space<vmem>>[vector<16xi32>], vector<16xf32>,
        tpu.vector_store_idx %arg6[%add3A_578], %sub3A {add = true} : memref<512xf32, #tpu.memory_space<vmem>>[vector<16xi32>], vector<16xf32>,
      }
      %scan3A_568 = arith.constant 500 : i32
    } else {
    }
    %add3A_139 = arith.constant 0 : i32
    %add3A_140 = vector.broadcast %add3A_139 : i32 to vector<16xi32>
    %add3A_141 = arith.addi %add3A_140, %iota3A : vector<16xi32>
    %mul3A_142 = arith.constant 16 : i32
    %mul3A_143 = vector.broadcast %mul3A_142 : i32 to vector<16xi32>
    %mul3A_144 = arith.muli %add3A_141, %mul3A_143 : vector<16xi32>
    %add3A_145 = arith.constant 0 : i32
    %add3A_146 = vector.broadcast %add3A_145 : i32 to vector<16xi32>
    %add3A_147 = arith.addi %mul3A_144, %add3A_146 : vector<16xi32>
    %gather3A = tpu.vector_load_idx %arg5[%add3A_147] : memref<512xf32, #tpu.memory_space<vmem>>[vector<16xi32>], vector<16xf32>,
    %add3A_148 = arith.addf %broadcast_in_dim3A_3, %gather3A : vector<16xf32>
    %gather3A_149 = tpu.vector_load_idx %arg6[%add3A_147] : memref<512xf32, #tpu.memory_space<vmem>>[vector<16xi32>], vector<16xf32>,
    %add3A_150 = arith.addf %broadcast_in_dim3A_3, %gather3A_149 : vector<16xf32>
    %add3A_151 = arith.constant 0 : i32
    %add3A_152 = vector.broadcast %add3A_151 : i32 to vector<16xi32>
    %add3A_153 = arith.addi %add3A_152, %iota3A : vector<16xi32>
    %mul3A_154 = arith.constant 16 : i32
    %mul3A_155 = vector.broadcast %mul3A_154 : i32 to vector<16xi32>
    %mul3A_156 = arith.muli %add3A_153, %mul3A_155 : vector<16xi32>
    %add3A_157 = arith.constant 1 : i32
    %add3A_158 = vector.broadcast %add3A_157 : i32 to vector<16xi32>
    %add3A_159 = arith.addi %mul3A_156, %add3A_158 : vector<16xi32>
    %gather3A_160 = tpu.vector_load_idx %arg5[%add3A_159] : memref<512xf32, #tpu.memory_space<vmem>>[vector<16xi32>], vector<16xf32>,
    %add3A_161 = arith.addf %add3A_148, %gather3A_160 : vector<16xf32>
    %gather3A_162 = tpu.vector_load_idx %arg6[%add3A_159] : memref<512xf32, #tpu.memory_space<vmem>>[vector<16xi32>], vector<16xf32>,
    %add3A_163 = arith.addf %add3A_150, %gather3A_162 : vector<16xf32>
    %add3A_164 = arith.constant 0 : i32
    %add3A_165 = vector.broadcast %add3A_164 : i32 to vector<16xi32>
    %add3A_166 = arith.addi %add3A_165, %iota3A : vector<16xi32>
    %mul3A_167 = arith.constant 16 : i32
    %mul3A_168 = vector.broadcast %mul3A_167 : i32 to vector<16xi32>
    %mul3A_169 = arith.muli %add3A_166, %mul3A_168 : vector<16xi32>
    %add3A_170 = arith.constant 2 : i32
    %add3A_171 = vector.broadcast %add3A_170 : i32 to vector<16xi32>
    %add3A_172 = arith.addi %mul3A_169, %add3A_171 : vector<16xi32>
    %gather3A_173 = tpu.vector_load_idx %arg5[%add3A_172] : memref<512xf32, #tpu.memory_space<vmem>>[vector<16xi32>], vector<16xf32>,
    %add3A_174 = arith.addf %add3A_161, %gather3A_173 : vector<16xf32>
    %gather3A_175 = tpu.vector_load_idx %arg6[%add3A_172] : memref<512xf32, #tpu.memory_space<vmem>>[vector<16xi32>], vector<16xf32>,
    %add3A_176 = arith.addf %add3A_163, %gather3A_175 : vector<16xf32>
    %add3A_177 = arith.constant 0 : i32
    %add3A_178 = vector.broadcast %add3A_177 : i32 to vector<16xi32>
    %add3A_179 = arith.addi %add3A_178, %iota3A : vector<16xi32>
    %mul3A_180 = arith.constant 16 : i32
    %mul3A_181 = vector.broadcast %mul3A_180 : i32 to vector<16xi32>
    %mul3A_182 = arith.muli %add3A_179, %mul3A_181 : vector<16xi32>
    %add3A_183 = arith.constant 3 : i32
    %add3A_184 = vector.broadcast %add3A_183 : i32 to vector<16xi32>
    %add3A_185 = arith.addi %mul3A_182, %add3A_184 : vector<16xi32>
    %gather3A_186 = tpu.vector_load_idx %arg5[%add3A_185] : memref<512xf32, #tpu.memory_space<vmem>>[vector<16xi32>], vector<16xf32>,
    %add3A_187 = arith.addf %add3A_174, %gather3A_186 : vector<16xf32>
    %gather3A_188 = tpu.vector_load_idx %arg6[%add3A_185] : memref<512xf32, #tpu.memory_space<vmem>>[vector<16xi32>], vector<16xf32>,
    %add3A_189 = arith.addf %add3A_176, %gather3A_188 : vector<16xf32>
    %add3A_190 = arith.constant 0 : i32
    %add3A_191 = vector.broadcast %add3A_190 : i32 to vector<16xi32>
    %add3A_192 = arith.addi %add3A_191, %iota3A : vector<16xi32>
    %mul3A_193 = arith.constant 16 : i32
    %mul3A_194 = vector.broadcast %mul3A_193 : i32 to vector<16xi32>
    %mul3A_195 = arith.muli %add3A_192, %mul3A_194 : vector<16xi32>
    %add3A_196 = arith.constant 4 : i32
    %add3A_197 = vector.broadcast %add3A_196 : i32 to vector<16xi32>
    %add3A_198 = arith.addi %mul3A_195, %add3A_197 : vector<16xi32>
    %gather3A_199 = tpu.vector_load_idx %arg5[%add3A_198] : memref<512xf32, #tpu.memory_space<vmem>>[vector<16xi32>], vector<16xf32>,
    %add3A_200 = arith.addf %add3A_187, %gather3A_199 : vector<16xf32>
    %gather3A_201 = tpu.vector_load_idx %arg6[%add3A_198] : memref<512xf32, #tpu.memory_space<vmem>>[vector<16xi32>], vector<16xf32>,
    %add3A_202 = arith.addf %add3A_189, %gather3A_201 : vector<16xf32>
    %add3A_203 = arith.constant 0 : i32
    %add3A_204 = vector.broadcast %add3A_203 : i32 to vector<16xi32>
    %add3A_205 = arith.addi %add3A_204, %iota3A : vector<16xi32>
    %mul3A_206 = arith.constant 16 : i32
    %mul3A_207 = vector.broadcast %mul3A_206 : i32 to vector<16xi32>
    %mul3A_208 = arith.muli %add3A_205, %mul3A_207 : vector<16xi32>
    %add3A_209 = arith.constant 5 : i32
    %add3A_210 = vector.broadcast %add3A_209 : i32 to vector<16xi32>
    %add3A_211 = arith.addi %mul3A_208, %add3A_210 : vector<16xi32>
    %gather3A_212 = tpu.vector_load_idx %arg5[%add3A_211] : memref<512xf32, #tpu.memory_space<vmem>>[vector<16xi32>], vector<16xf32>,
    %add3A_213 = arith.addf %add3A_200, %gather3A_212 : vector<16xf32>
    %gather3A_214 = tpu.vector_load_idx %arg6[%add3A_211] : memref<512xf32, #tpu.memory_space<vmem>>[vector<16xi32>], vector<16xf32>,
    %add3A_215 = arith.addf %add3A_202, %gather3A_214 : vector<16xf32>
    %add3A_216 = arith.constant 0 : i32
    %add3A_217 = vector.broadcast %add3A_216 : i32 to vector<16xi32>
    %add3A_218 = arith.addi %add3A_217, %iota3A : vector<16xi32>
    %mul3A_219 = arith.constant 16 : i32
    %mul3A_220 = vector.broadcast %mul3A_219 : i32 to vector<16xi32>
    %mul3A_221 = arith.muli %add3A_218, %mul3A_220 : vector<16xi32>
    %add3A_222 = arith.constant 6 : i32
    %add3A_223 = vector.broadcast %add3A_222 : i32 to vector<16xi32>
    %add3A_224 = arith.addi %mul3A_221, %add3A_223 : vector<16xi32>
    %gather3A_225 = tpu.vector_load_idx %arg5[%add3A_224] : memref<512xf32, #tpu.memory_space<vmem>>[vector<16xi32>], vector<16xf32>,
    %add3A_226 = arith.addf %add3A_213, %gather3A_225 : vector<16xf32>
    %gather3A_227 = tpu.vector_load_idx %arg6[%add3A_224] : memref<512xf32, #tpu.memory_space<vmem>>[vector<16xi32>], vector<16xf32>,
    %add3A_228 = arith.addf %add3A_215, %gather3A_227 : vector<16xf32>
    %add3A_229 = arith.constant 0 : i32
    %add3A_230 = vector.broadcast %add3A_229 : i32 to vector<16xi32>
    %add3A_231 = arith.addi %add3A_230, %iota3A : vector<16xi32>
    %mul3A_232 = arith.constant 16 : i32
    %mul3A_233 = vector.broadcast %mul3A_232 : i32 to vector<16xi32>
    %mul3A_234 = arith.muli %add3A_231, %mul3A_233 : vector<16xi32>
    %add3A_235 = arith.constant 7 : i32
    %add3A_236 = vector.broadcast %add3A_235 : i32 to vector<16xi32>
    %add3A_237 = arith.addi %mul3A_234, %add3A_236 : vector<16xi32>
    %gather3A_238 = tpu.vector_load_idx %arg5[%add3A_237] : memref<512xf32, #tpu.memory_space<vmem>>[vector<16xi32>], vector<16xf32>,
    %add3A_239 = arith.addf %add3A_226, %gather3A_238 : vector<16xf32>
    %gather3A_240 = tpu.vector_load_idx %arg6[%add3A_237] : memref<512xf32, #tpu.memory_space<vmem>>[vector<16xi32>], vector<16xf32>,
    %add3A_241 = arith.addf %add3A_228, %gather3A_240 : vector<16xf32>
    %add3A_242 = arith.constant 0 : i32
    %add3A_243 = vector.broadcast %add3A_242 : i32 to vector<16xi32>
    %add3A_244 = arith.addi %add3A_243, %iota3A : vector<16xi32>
    %mul3A_245 = arith.constant 16 : i32
    %mul3A_246 = vector.broadcast %mul3A_245 : i32 to vector<16xi32>
    %mul3A_247 = arith.muli %add3A_244, %mul3A_246 : vector<16xi32>
    %add3A_248 = arith.constant 8 : i32
    %add3A_249 = vector.broadcast %add3A_248 : i32 to vector<16xi32>
    %add3A_250 = arith.addi %mul3A_247, %add3A_249 : vector<16xi32>
    %gather3A_251 = tpu.vector_load_idx %arg5[%add3A_250] : memref<512xf32, #tpu.memory_space<vmem>>[vector<16xi32>], vector<16xf32>,
    %add3A_252 = arith.addf %add3A_239, %gather3A_251 : vector<16xf32>
    %gather3A_253 = tpu.vector_load_idx %arg6[%add3A_250] : memref<512xf32, #tpu.memory_space<vmem>>[vector<16xi32>], vector<16xf32>,
    %add3A_254 = arith.addf %add3A_241, %gather3A_253 : vector<16xf32>
    %add3A_255 = arith.constant 0 : i32
    %add3A_256 = vector.broadcast %add3A_255 : i32 to vector<16xi32>
    %add3A_257 = arith.addi %add3A_256, %iota3A : vector<16xi32>
    %mul3A_258 = arith.constant 16 : i32
    %mul3A_259 = vector.broadcast %mul3A_258 : i32 to vector<16xi32>
    %mul3A_260 = arith.muli %add3A_257, %mul3A_259 : vector<16xi32>
    %add3A_261 = arith.constant 9 : i32
    %add3A_262 = vector.broadcast %add3A_261 : i32 to vector<16xi32>
    %add3A_263 = arith.addi %mul3A_260, %add3A_262 : vector<16xi32>
    %gather3A_264 = tpu.vector_load_idx %arg5[%add3A_263] : memref<512xf32, #tpu.memory_space<vmem>>[vector<16xi32>], vector<16xf32>,
    %add3A_265 = arith.addf %add3A_252, %gather3A_264 : vector<16xf32>
    %gather3A_266 = tpu.vector_load_idx %arg6[%add3A_263] : memref<512xf32, #tpu.memory_space<vmem>>[vector<16xi32>], vector<16xf32>,
    %add3A_267 = arith.addf %add3A_254, %gather3A_266 : vector<16xf32>
    %add3A_268 = arith.constant 0 : i32
    %add3A_269 = vector.broadcast %add3A_268 : i32 to vector<16xi32>
    %add3A_270 = arith.addi %add3A_269, %iota3A : vector<16xi32>
    %mul3A_271 = arith.constant 16 : i32
    %mul3A_272 = vector.broadcast %mul3A_271 : i32 to vector<16xi32>
    %mul3A_273 = arith.muli %add3A_270, %mul3A_272 : vector<16xi32>
    %add3A_274 = arith.constant 10 : i32
    %add3A_275 = vector.broadcast %add3A_274 : i32 to vector<16xi32>
    %add3A_276 = arith.addi %mul3A_273, %add3A_275 : vector<16xi32>
    %gather3A_277 = tpu.vector_load_idx %arg5[%add3A_276] : memref<512xf32, #tpu.memory_space<vmem>>[vector<16xi32>], vector<16xf32>,
    %add3A_278 = arith.addf %add3A_265, %gather3A_277 : vector<16xf32>
    %gather3A_279 = tpu.vector_load_idx %arg6[%add3A_276] : memref<512xf32, #tpu.memory_space<vmem>>[vector<16xi32>], vector<16xf32>,
    %add3A_280 = arith.addf %add3A_267, %gather3A_279 : vector<16xf32>
    %add3A_281 = arith.constant 0 : i32
    %add3A_282 = vector.broadcast %add3A_281 : i32 to vector<16xi32>
    %add3A_283 = arith.addi %add3A_282, %iota3A : vector<16xi32>
    %mul3A_284 = arith.constant 16 : i32
    %mul3A_285 = vector.broadcast %mul3A_284 : i32 to vector<16xi32>
    %mul3A_286 = arith.muli %add3A_283, %mul3A_285 : vector<16xi32>
    %add3A_287 = arith.constant 11 : i32
    %add3A_288 = vector.broadcast %add3A_287 : i32 to vector<16xi32>
    %add3A_289 = arith.addi %mul3A_286, %add3A_288 : vector<16xi32>
    %gather3A_290 = tpu.vector_load_idx %arg5[%add3A_289] : memref<512xf32, #tpu.memory_space<vmem>>[vector<16xi32>], vector<16xf32>,
    %add3A_291 = arith.addf %add3A_278, %gather3A_290 : vector<16xf32>
    %gather3A_292 = tpu.vector_load_idx %arg6[%add3A_289] : memref<512xf32, #tpu.memory_space<vmem>>[vector<16xi32>], vector<16xf32>,
    %add3A_293 = arith.addf %add3A_280, %gather3A_292 : vector<16xf32>
    %add3A_294 = arith.constant 0 : i32
    %add3A_295 = vector.broadcast %add3A_294 : i32 to vector<16xi32>
    %add3A_296 = arith.addi %add3A_295, %iota3A : vector<16xi32>
    %mul3A_297 = arith.constant 16 : i32
    %mul3A_298 = vector.broadcast %mul3A_297 : i32 to vector<16xi32>
    %mul3A_299 = arith.muli %add3A_296, %mul3A_298 : vector<16xi32>
    %add3A_300 = arith.constant 12 : i32
    %add3A_301 = vector.broadcast %add3A_300 : i32 to vector<16xi32>
    %add3A_302 = arith.addi %mul3A_299, %add3A_301 : vector<16xi32>
    %gather3A_303 = tpu.vector_load_idx %arg5[%add3A_302] : memref<512xf32, #tpu.memory_space<vmem>>[vector<16xi32>], vector<16xf32>,
    %add3A_304 = arith.addf %add3A_291, %gather3A_303 : vector<16xf32>
    %gather3A_305 = tpu.vector_load_idx %arg6[%add3A_302] : memref<512xf32, #tpu.memory_space<vmem>>[vector<16xi32>], vector<16xf32>,
    %add3A_306 = arith.addf %add3A_293, %gather3A_305 : vector<16xf32>
    %add3A_307 = arith.constant 0 : i32
    %add3A_308 = vector.broadcast %add3A_307 : i32 to vector<16xi32>
    %add3A_309 = arith.addi %add3A_308, %iota3A : vector<16xi32>
    %mul3A_310 = arith.constant 16 : i32
    %mul3A_311 = vector.broadcast %mul3A_310 : i32 to vector<16xi32>
    %mul3A_312 = arith.muli %add3A_309, %mul3A_311 : vector<16xi32>
    %add3A_313 = arith.constant 13 : i32
    %add3A_314 = vector.broadcast %add3A_313 : i32 to vector<16xi32>
    %add3A_315 = arith.addi %mul3A_312, %add3A_314 : vector<16xi32>
    %gather3A_316 = tpu.vector_load_idx %arg5[%add3A_315] : memref<512xf32, #tpu.memory_space<vmem>>[vector<16xi32>], vector<16xf32>,
    %add3A_317 = arith.addf %add3A_304, %gather3A_316 : vector<16xf32>
    %gather3A_318 = tpu.vector_load_idx %arg6[%add3A_315] : memref<512xf32, #tpu.memory_space<vmem>>[vector<16xi32>], vector<16xf32>,
    %add3A_319 = arith.addf %add3A_306, %gather3A_318 : vector<16xf32>
    %add3A_320 = arith.constant 0 : i32
    %add3A_321 = vector.broadcast %add3A_320 : i32 to vector<16xi32>
    %add3A_322 = arith.addi %add3A_321, %iota3A : vector<16xi32>
    %mul3A_323 = arith.constant 16 : i32
    %mul3A_324 = vector.broadcast %mul3A_323 : i32 to vector<16xi32>
    %mul3A_325 = arith.muli %add3A_322, %mul3A_324 : vector<16xi32>
    %add3A_326 = arith.constant 14 : i32
    %add3A_327 = vector.broadcast %add3A_326 : i32 to vector<16xi32>
    %add3A_328 = arith.addi %mul3A_325, %add3A_327 : vector<16xi32>
    %gather3A_329 = tpu.vector_load_idx %arg5[%add3A_328] : memref<512xf32, #tpu.memory_space<vmem>>[vector<16xi32>], vector<16xf32>,
    %add3A_330 = arith.addf %add3A_317, %gather3A_329 : vector<16xf32>
    %gather3A_331 = tpu.vector_load_idx %arg6[%add3A_328] : memref<512xf32, #tpu.memory_space<vmem>>[vector<16xi32>], vector<16xf32>,
    %add3A_332 = arith.addf %add3A_319, %gather3A_331 : vector<16xf32>
    %add3A_333 = arith.constant 0 : i32
    %add3A_334 = vector.broadcast %add3A_333 : i32 to vector<16xi32>
    %add3A_335 = arith.addi %add3A_334, %iota3A : vector<16xi32>
    %mul3A_336 = arith.constant 16 : i32
    %mul3A_337 = vector.broadcast %mul3A_336 : i32 to vector<16xi32>
    %mul3A_338 = arith.muli %add3A_335, %mul3A_337 : vector<16xi32>
    %add3A_339 = arith.constant 15 : i32
    %add3A_340 = vector.broadcast %add3A_339 : i32 to vector<16xi32>
    %add3A_341 = arith.addi %mul3A_338, %add3A_340 : vector<16xi32>
    %gather3A_342 = tpu.vector_load_idx %arg5[%add3A_341] : memref<512xf32, #tpu.memory_space<vmem>>[vector<16xi32>], vector<16xf32>,
    %add3A_343 = arith.addf %add3A_330, %gather3A_342 : vector<16xf32>
    %gather3A_344 = tpu.vector_load_idx %arg6[%add3A_341] : memref<512xf32, #tpu.memory_space<vmem>>[vector<16xi32>], vector<16xf32>,
    %add3A_345 = arith.addf %add3A_332, %gather3A_344 : vector<16xf32>
    %swap3A_346 = arith.constant 0 : index
    %swap3A_347 = tpu.vector_load %arg7[%swap3A_346] {strides = array<i32>} : memref<64xf32, #tpu.memory_space<vmem>>, vector<16xf32>,
    tpu.vector_store %arg7[%swap3A_346], %add3A_343 {strides = array<i32>} : memref<64xf32, #tpu.memory_space<vmem>>, vector<16xf32>,
    %swap3A_348 = arith.constant 32 : index
    %swap3A_349 = tpu.vector_load %arg7[%swap3A_348] {strides = array<i32>} : memref<64xf32, #tpu.memory_space<vmem>>, vector<16xf32>,
    tpu.vector_store %arg7[%swap3A_348], %add3A_345 {strides = array<i32>} : memref<64xf32, #tpu.memory_space<vmem>>, vector<16xf32>,
    %add3A_350 = arith.constant 16 : i32
    %add3A_351 = vector.broadcast %add3A_350 : i32 to vector<16xi32>
    %add3A_352 = arith.addi %add3A_351, %iota3A : vector<16xi32>
    %mul3A_353 = arith.constant 16 : i32
    %mul3A_354 = vector.broadcast %mul3A_353 : i32 to vector<16xi32>
    %mul3A_355 = arith.muli %add3A_352, %mul3A_354 : vector<16xi32>
    %add3A_356 = arith.constant 0 : i32
    %add3A_357 = vector.broadcast %add3A_356 : i32 to vector<16xi32>
    %add3A_358 = arith.addi %mul3A_355, %add3A_357 : vector<16xi32>
    %gather3A_359 = tpu.vector_load_idx %arg5[%add3A_358] : memref<512xf32, #tpu.memory_space<vmem>>[vector<16xi32>], vector<16xf32>,
    %add3A_360 = arith.addf %broadcast_in_dim3A_3, %gather3A_359 : vector<16xf32>
    %gather3A_361 = tpu.vector_load_idx %arg6[%add3A_358] : memref<512xf32, #tpu.memory_space<vmem>>[vector<16xi32>], vector<16xf32>,
    %add3A_362 = arith.addf %broadcast_in_dim3A_3, %gather3A_361 : vector<16xf32>
    %add3A_363 = arith.constant 16 : i32
    %add3A_364 = vector.broadcast %add3A_363 : i32 to vector<16xi32>
    %add3A_365 = arith.addi %add3A_364, %iota3A : vector<16xi32>
    %mul3A_366 = arith.constant 16 : i32
    %mul3A_367 = vector.broadcast %mul3A_366 : i32 to vector<16xi32>
    %mul3A_368 = arith.muli %add3A_365, %mul3A_367 : vector<16xi32>
    %add3A_369 = arith.constant 1 : i32
    %add3A_370 = vector.broadcast %add3A_369 : i32 to vector<16xi32>
    %add3A_371 = arith.addi %mul3A_368, %add3A_370 : vector<16xi32>
    %gather3A_372 = tpu.vector_load_idx %arg5[%add3A_371] : memref<512xf32, #tpu.memory_space<vmem>>[vector<16xi32>], vector<16xf32>,
    %add3A_373 = arith.addf %add3A_360, %gather3A_372 : vector<16xf32>
    %gather3A_374 = tpu.vector_load_idx %arg6[%add3A_371] : memref<512xf32, #tpu.memory_space<vmem>>[vector<16xi32>], vector<16xf32>,
    %add3A_375 = arith.addf %add3A_362, %gather3A_374 : vector<16xf32>
    %add3A_376 = arith.constant 16 : i32
    %add3A_377 = vector.broadcast %add3A_376 : i32 to vector<16xi32>
    %add3A_378 = arith.addi %add3A_377, %iota3A : vector<16xi32>
    %mul3A_379 = arith.constant 16 : i32
    %mul3A_380 = vector.broadcast %mul3A_379 : i32 to vector<16xi32>
    %mul3A_381 = arith.muli %add3A_378, %mul3A_380 : vector<16xi32>
    %add3A_382 = arith.constant 2 : i32
    %add3A_383 = vector.broadcast %add3A_382 : i32 to vector<16xi32>
    %add3A_384 = arith.addi %mul3A_381, %add3A_383 : vector<16xi32>
    %gather3A_385 = tpu.vector_load_idx %arg5[%add3A_384] : memref<512xf32, #tpu.memory_space<vmem>>[vector<16xi32>], vector<16xf32>,
    %add3A_386 = arith.addf %add3A_373, %gather3A_385 : vector<16xf32>
    %gather3A_387 = tpu.vector_load_idx %arg6[%add3A_384] : memref<512xf32, #tpu.memory_space<vmem>>[vector<16xi32>], vector<16xf32>,
    %add3A_388 = arith.addf %add3A_375, %gather3A_387 : vector<16xf32>
    %add3A_389 = arith.constant 16 : i32
    %add3A_390 = vector.broadcast %add3A_389 : i32 to vector<16xi32>
    %add3A_391 = arith.addi %add3A_390, %iota3A : vector<16xi32>
    %mul3A_392 = arith.constant 16 : i32
    %mul3A_393 = vector.broadcast %mul3A_392 : i32 to vector<16xi32>
    %mul3A_394 = arith.muli %add3A_391, %mul3A_393 : vector<16xi32>
    %add3A_395 = arith.constant 3 : i32
    %add3A_396 = vector.broadcast %add3A_395 : i32 to vector<16xi32>
    %add3A_397 = arith.addi %mul3A_394, %add3A_396 : vector<16xi32>
    %gather3A_398 = tpu.vector_load_idx %arg5[%add3A_397] : memref<512xf32, #tpu.memory_space<vmem>>[vector<16xi32>], vector<16xf32>,
    %add3A_399 = arith.addf %add3A_386, %gather3A_398 : vector<16xf32>
    %gather3A_400 = tpu.vector_load_idx %arg6[%add3A_397] : memref<512xf32, #tpu.memory_space<vmem>>[vector<16xi32>], vector<16xf32>,
    %add3A_401 = arith.addf %add3A_388, %gather3A_400 : vector<16xf32>
    %add3A_402 = arith.constant 16 : i32
    %add3A_403 = vector.broadcast %add3A_402 : i32 to vector<16xi32>
    %add3A_404 = arith.addi %add3A_403, %iota3A : vector<16xi32>
    %mul3A_405 = arith.constant 16 : i32
    %mul3A_406 = vector.broadcast %mul3A_405 : i32 to vector<16xi32>
    %mul3A_407 = arith.muli %add3A_404, %mul3A_406 : vector<16xi32>
    %add3A_408 = arith.constant 4 : i32
    %add3A_409 = vector.broadcast %add3A_408 : i32 to vector<16xi32>
    %add3A_410 = arith.addi %mul3A_407, %add3A_409 : vector<16xi32>
    %gather3A_411 = tpu.vector_load_idx %arg5[%add3A_410] : memref<512xf32, #tpu.memory_space<vmem>>[vector<16xi32>], vector<16xf32>,
    %add3A_412 = arith.addf %add3A_399, %gather3A_411 : vector<16xf32>
    %gather3A_413 = tpu.vector_load_idx %arg6[%add3A_410] : memref<512xf32, #tpu.memory_space<vmem>>[vector<16xi32>], vector<16xf32>,
    %add3A_414 = arith.addf %add3A_401, %gather3A_413 : vector<16xf32>
    %add3A_415 = arith.constant 16 : i32
    %add3A_416 = vector.broadcast %add3A_415 : i32 to vector<16xi32>
    %add3A_417 = arith.addi %add3A_416, %iota3A : vector<16xi32>
    %mul3A_418 = arith.constant 16 : i32
    %mul3A_419 = vector.broadcast %mul3A_418 : i32 to vector<16xi32>
    %mul3A_420 = arith.muli %add3A_417, %mul3A_419 : vector<16xi32>
    %add3A_421 = arith.constant 5 : i32
    %add3A_422 = vector.broadcast %add3A_421 : i32 to vector<16xi32>
    %add3A_423 = arith.addi %mul3A_420, %add3A_422 : vector<16xi32>
    %gather3A_424 = tpu.vector_load_idx %arg5[%add3A_423] : memref<512xf32, #tpu.memory_space<vmem>>[vector<16xi32>], vector<16xf32>,
    %add3A_425 = arith.addf %add3A_412, %gather3A_424 : vector<16xf32>
    %gather3A_426 = tpu.vector_load_idx %arg6[%add3A_423] : memref<512xf32, #tpu.memory_space<vmem>>[vector<16xi32>], vector<16xf32>,
    %add3A_427 = arith.addf %add3A_414, %gather3A_426 : vector<16xf32>
    %add3A_428 = arith.constant 16 : i32
    %add3A_429 = vector.broadcast %add3A_428 : i32 to vector<16xi32>
    %add3A_430 = arith.addi %add3A_429, %iota3A : vector<16xi32>
    %mul3A_431 = arith.constant 16 : i32
    %mul3A_432 = vector.broadcast %mul3A_431 : i32 to vector<16xi32>
    %mul3A_433 = arith.muli %add3A_430, %mul3A_432 : vector<16xi32>
    %add3A_434 = arith.constant 6 : i32
    %add3A_435 = vector.broadcast %add3A_434 : i32 to vector<16xi32>
    %add3A_436 = arith.addi %mul3A_433, %add3A_435 : vector<16xi32>
    %gather3A_437 = tpu.vector_load_idx %arg5[%add3A_436] : memref<512xf32, #tpu.memory_space<vmem>>[vector<16xi32>], vector<16xf32>,
    %add3A_438 = arith.addf %add3A_425, %gather3A_437 : vector<16xf32>
    %gather3A_439 = tpu.vector_load_idx %arg6[%add3A_436] : memref<512xf32, #tpu.memory_space<vmem>>[vector<16xi32>], vector<16xf32>,
    %add3A_440 = arith.addf %add3A_427, %gather3A_439 : vector<16xf32>
    %add3A_441 = arith.constant 16 : i32
    %add3A_442 = vector.broadcast %add3A_441 : i32 to vector<16xi32>
    %add3A_443 = arith.addi %add3A_442, %iota3A : vector<16xi32>
    %mul3A_444 = arith.constant 16 : i32
    %mul3A_445 = vector.broadcast %mul3A_444 : i32 to vector<16xi32>
    %mul3A_446 = arith.muli %add3A_443, %mul3A_445 : vector<16xi32>
    %add3A_447 = arith.constant 7 : i32
    %add3A_448 = vector.broadcast %add3A_447 : i32 to vector<16xi32>
    %add3A_449 = arith.addi %mul3A_446, %add3A_448 : vector<16xi32>
    %gather3A_450 = tpu.vector_load_idx %arg5[%add3A_449] : memref<512xf32, #tpu.memory_space<vmem>>[vector<16xi32>], vector<16xf32>,
    %add3A_451 = arith.addf %add3A_438, %gather3A_450 : vector<16xf32>
    %gather3A_452 = tpu.vector_load_idx %arg6[%add3A_449] : memref<512xf32, #tpu.memory_space<vmem>>[vector<16xi32>], vector<16xf32>,
    %add3A_453 = arith.addf %add3A_440, %gather3A_452 : vector<16xf32>
    %add3A_454 = arith.constant 16 : i32
    %add3A_455 = vector.broadcast %add3A_454 : i32 to vector<16xi32>
    %add3A_456 = arith.addi %add3A_455, %iota3A : vector<16xi32>
    %mul3A_457 = arith.constant 16 : i32
    %mul3A_458 = vector.broadcast %mul3A_457 : i32 to vector<16xi32>
    %mul3A_459 = arith.muli %add3A_456, %mul3A_458 : vector<16xi32>
    %add3A_460 = arith.constant 8 : i32
    %add3A_461 = vector.broadcast %add3A_460 : i32 to vector<16xi32>
    %add3A_462 = arith.addi %mul3A_459, %add3A_461 : vector<16xi32>
    %gather3A_463 = tpu.vector_load_idx %arg5[%add3A_462] : memref<512xf32, #tpu.memory_space<vmem>>[vector<16xi32>], vector<16xf32>,
    %add3A_464 = arith.addf %add3A_451, %gather3A_463 : vector<16xf32>
    %gather3A_465 = tpu.vector_load_idx %arg6[%add3A_462] : memref<512xf32, #tpu.memory_space<vmem>>[vector<16xi32>], vector<16xf32>,
    %add3A_466 = arith.addf %add3A_453, %gather3A_465 : vector<16xf32>
    %add3A_467 = arith.constant 16 : i32
    %add3A_468 = vector.broadcast %add3A_467 : i32 to vector<16xi32>
    %add3A_469 = arith.addi %add3A_468, %iota3A : vector<16xi32>
    %mul3A_470 = arith.constant 16 : i32
    %mul3A_471 = vector.broadcast %mul3A_470 : i32 to vector<16xi32>
    %mul3A_472 = arith.muli %add3A_469, %mul3A_471 : vector<16xi32>
    %add3A_473 = arith.constant 9 : i32
    %add3A_474 = vector.broadcast %add3A_473 : i32 to vector<16xi32>
    %add3A_475 = arith.addi %mul3A_472, %add3A_474 : vector<16xi32>
    %gather3A_476 = tpu.vector_load_idx %arg5[%add3A_475] : memref<512xf32, #tpu.memory_space<vmem>>[vector<16xi32>], vector<16xf32>,
    %add3A_477 = arith.addf %add3A_464, %gather3A_476 : vector<16xf32>
    %gather3A_478 = tpu.vector_load_idx %arg6[%add3A_475] : memref<512xf32, #tpu.memory_space<vmem>>[vector<16xi32>], vector<16xf32>,
    %add3A_479 = arith.addf %add3A_466, %gather3A_478 : vector<16xf32>
    %add3A_480 = arith.constant 16 : i32
    %add3A_481 = vector.broadcast %add3A_480 : i32 to vector<16xi32>
    %add3A_482 = arith.addi %add3A_481, %iota3A : vector<16xi32>
    %mul3A_483 = arith.constant 16 : i32
    %mul3A_484 = vector.broadcast %mul3A_483 : i32 to vector<16xi32>
    %mul3A_485 = arith.muli %add3A_482, %mul3A_484 : vector<16xi32>
    %add3A_486 = arith.constant 10 : i32
    %add3A_487 = vector.broadcast %add3A_486 : i32 to vector<16xi32>
    %add3A_488 = arith.addi %mul3A_485, %add3A_487 : vector<16xi32>
    %gather3A_489 = tpu.vector_load_idx %arg5[%add3A_488] : memref<512xf32, #tpu.memory_space<vmem>>[vector<16xi32>], vector<16xf32>,
    %add3A_490 = arith.addf %add3A_477, %gather3A_489 : vector<16xf32>
    %gather3A_491 = tpu.vector_load_idx %arg6[%add3A_488] : memref<512xf32, #tpu.memory_space<vmem>>[vector<16xi32>], vector<16xf32>,
    %add3A_492 = arith.addf %add3A_479, %gather3A_491 : vector<16xf32>
    %add3A_493 = arith.constant 16 : i32
    %add3A_494 = vector.broadcast %add3A_493 : i32 to vector<16xi32>
    %add3A_495 = arith.addi %add3A_494, %iota3A : vector<16xi32>
    %mul3A_496 = arith.constant 16 : i32
    %mul3A_497 = vector.broadcast %mul3A_496 : i32 to vector<16xi32>
    %mul3A_498 = arith.muli %add3A_495, %mul3A_497 : vector<16xi32>
    %add3A_499 = arith.constant 11 : i32
    %add3A_500 = vector.broadcast %add3A_499 : i32 to vector<16xi32>
    %add3A_501 = arith.addi %mul3A_498, %add3A_500 : vector<16xi32>
    %gather3A_502 = tpu.vector_load_idx %arg5[%add3A_501] : memref<512xf32, #tpu.memory_space<vmem>>[vector<16xi32>], vector<16xf32>,
    %add3A_503 = arith.addf %add3A_490, %gather3A_502 : vector<16xf32>
    %gather3A_504 = tpu.vector_load_idx %arg6[%add3A_501] : memref<512xf32, #tpu.memory_space<vmem>>[vector<16xi32>], vector<16xf32>,
    %add3A_505 = arith.addf %add3A_492, %gather3A_504 : vector<16xf32>
    %add3A_506 = arith.constant 16 : i32
    %add3A_507 = vector.broadcast %add3A_506 : i32 to vector<16xi32>
    %add3A_508 = arith.addi %add3A_507, %iota3A : vector<16xi32>
    %mul3A_509 = arith.constant 16 : i32
    %mul3A_510 = vector.broadcast %mul3A_509 : i32 to vector<16xi32>
    %mul3A_511 = arith.muli %add3A_508, %mul3A_510 : vector<16xi32>
    %add3A_512 = arith.constant 12 : i32
    %add3A_513 = vector.broadcast %add3A_512 : i32 to vector<16xi32>
    %add3A_514 = arith.addi %mul3A_511, %add3A_513 : vector<16xi32>
    %gather3A_515 = tpu.vector_load_idx %arg5[%add3A_514] : memref<512xf32, #tpu.memory_space<vmem>>[vector<16xi32>], vector<16xf32>,
    %add3A_516 = arith.addf %add3A_503, %gather3A_515 : vector<16xf32>
    %gather3A_517 = tpu.vector_load_idx %arg6[%add3A_514] : memref<512xf32, #tpu.memory_space<vmem>>[vector<16xi32>], vector<16xf32>,
    %add3A_518 = arith.addf %add3A_505, %gather3A_517 : vector<16xf32>
    %add3A_519 = arith.constant 16 : i32
    %add3A_520 = vector.broadcast %add3A_519 : i32 to vector<16xi32>
    %add3A_521 = arith.addi %add3A_520, %iota3A : vector<16xi32>
    %mul3A_522 = arith.constant 16 : i32
    %mul3A_523 = vector.broadcast %mul3A_522 : i32 to vector<16xi32>
    %mul3A_524 = arith.muli %add3A_521, %mul3A_523 : vector<16xi32>
    %add3A_525 = arith.constant 13 : i32
    %add3A_526 = vector.broadcast %add3A_525 : i32 to vector<16xi32>
    %add3A_527 = arith.addi %mul3A_524, %add3A_526 : vector<16xi32>
    %gather3A_528 = tpu.vector_load_idx %arg5[%add3A_527] : memref<512xf32, #tpu.memory_space<vmem>>[vector<16xi32>], vector<16xf32>,
    %add3A_529 = arith.addf %add3A_516, %gather3A_528 : vector<16xf32>
    %gather3A_530 = tpu.vector_load_idx %arg6[%add3A_527] : memref<512xf32, #tpu.memory_space<vmem>>[vector<16xi32>], vector<16xf32>,
    %add3A_531 = arith.addf %add3A_518, %gather3A_530 : vector<16xf32>
    %add3A_532 = arith.constant 16 : i32
    %add3A_533 = vector.broadcast %add3A_532 : i32 to vector<16xi32>
    %add3A_534 = arith.addi %add3A_533, %iota3A : vector<16xi32>
    %mul3A_535 = arith.constant 16 : i32
    %mul3A_536 = vector.broadcast %mul3A_535 : i32 to vector<16xi32>
    %mul3A_537 = arith.muli %add3A_534, %mul3A_536 : vector<16xi32>
    %add3A_538 = arith.constant 14 : i32
    %add3A_539 = vector.broadcast %add3A_538 : i32 to vector<16xi32>
    %add3A_540 = arith.addi %mul3A_537, %add3A_539 : vector<16xi32>
    %gather3A_541 = tpu.vector_load_idx %arg5[%add3A_540] : memref<512xf32, #tpu.memory_space<vmem>>[vector<16xi32>], vector<16xf32>,
    %add3A_542 = arith.addf %add3A_529, %gather3A_541 : vector<16xf32>
    %gather3A_543 = tpu.vector_load_idx %arg6[%add3A_540] : memref<512xf32, #tpu.memory_space<vmem>>[vector<16xi32>], vector<16xf32>,
    %add3A_544 = arith.addf %add3A_531, %gather3A_543 : vector<16xf32>
    %add3A_545 = arith.constant 16 : i32
    %add3A_546 = vector.broadcast %add3A_545 : i32 to vector<16xi32>
    %add3A_547 = arith.addi %add3A_546, %iota3A : vector<16xi32>
    %mul3A_548 = arith.constant 16 : i32
    %mul3A_549 = vector.broadcast %mul3A_548 : i32 to vector<16xi32>
    %mul3A_550 = arith.muli %add3A_547, %mul3A_549 : vector<16xi32>
    %add3A_551 = arith.constant 15 : i32
    %add3A_552 = vector.broadcast %add3A_551 : i32 to vector<16xi32>
    %add3A_553 = arith.addi %mul3A_550, %add3A_552 : vector<16xi32>
    %gather3A_554 = tpu.vector_load_idx %arg5[%add3A_553] : memref<512xf32, #tpu.memory_space<vmem>>[vector<16xi32>], vector<16xf32>,
    %add3A_555 = arith.addf %add3A_542, %gather3A_554 : vector<16xf32>
    %gather3A_556 = tpu.vector_load_idx %arg6[%add3A_553] : memref<512xf32, #tpu.memory_space<vmem>>[vector<16xi32>], vector<16xf32>,
    %add3A_557 = arith.addf %add3A_544, %gather3A_556 : vector<16xf32>
    %swap3A_558 = arith.constant 16 : index
    %swap3A_559 = tpu.vector_load %arg7[%swap3A_558] {strides = array<i32>} : memref<64xf32, #tpu.memory_space<vmem>>, vector<16xf32>,
    tpu.vector_store %arg7[%swap3A_558], %add3A_555 {strides = array<i32>} : memref<64xf32, #tpu.memory_space<vmem>>, vector<16xf32>,
    %swap3A_560 = arith.constant 48 : index
    %swap3A_561 = tpu.vector_load %arg7[%swap3A_560] {strides = array<i32>} : memref<64xf32, #tpu.memory_space<vmem>>, vector<16xf32>,
    tpu.vector_store %arg7[%swap3A_560], %add3A_557 {strides = array<i32>} : memref<64xf32, #tpu.memory_space<vmem>>, vector<16xf32>,
    %mul3A_562 = arith.constant 64 : i32
    %mul3A_563 = arith.muli %add3A, %mul3A_562 : i32
    "tpu.region"() ({
      %run_scoped3A = tpu.sem_alloc : memref<!tpu.dma_semaphore, #tpu.memory_space<semaphore_mem>>
      %dma_start3A = tpu.memref_slice %arg3[%mul3A_563] : memref<2048xf32, #tpu.memory_space<hbm>> -> memref<64xf32, #tpu.memory_space<hbm>>
      %dma_start3A_564 = tpu.memref_slice %arg3[%mul3A_563] : memref<2048xf32, #tpu.memory_space<hbm>> -> memref<64xf32, #tpu.memory_space<hbm>>
      tpu.enqueue_dma source(%arg7 : memref<64xf32, #tpu.memory_space<vmem>>) target(%dma_start3A_564 : memref<64xf32, #tpu.memory_space<hbm>>) target_semaphore(%run_scoped3A : memref<!tpu.dma_semaphore, #tpu.memory_space<semaphore_mem>>)
      %dma_wait3A = tpu.memref_slice %arg3[%mul3A_563] : memref<2048xf32, #tpu.memory_space<hbm>> -> memref<64xf32, #tpu.memory_space<hbm>>
      %dma_wait3A_565 = tpu.memref_slice %arg3[%mul3A_563] : memref<2048xf32, #tpu.memory_space<hbm>> -> memref<64xf32, #tpu.memory_space<hbm>>
      tpu.wait_dma2 semaphore(%run_scoped3A : memref<!tpu.dma_semaphore, #tpu.memory_space<semaphore_mem>>) src(%arg7 : memref<64xf32, #tpu.memory_space<vmem>>) dst(%dma_wait3A_565 : memref<64xf32, #tpu.memory_space<hbm>>)
      tpu.yield
    }) : () -> ()
    return
  }
}

module attributes {stable_mosaic.version = 14 : i64} {
  func.func @_stage1_body(%arg0: i32, %arg1: memref<20000x100xf32, #tpu.memory_space<vmem>>, %arg2: memref<1x1x20000xi32, #tpu.memory_space<vmem>>, %arg3: memref<1x1x20000xf32, #tpu.memory_space<vmem>>) attributes {dimension_semantics = [#tpu.dimension_semantics<parallel>], iteration_bounds = array<i64: 50>, scalar_prefetch = 0 : i64, scratch_operands = 0 : i64, tpu.core_type = #tpu.core_type<tc>, window_params = [{transform_indices = @transform_0, window_bounds = array<i64: 20000, 100>}, {transform_indices = @transform_1, window_bounds = array<i64: 1, 1, 20000>}, {transform_indices = @transform_2, window_bounds = array<i64: 1, 1, 20000>}]} {
    %get3A = arith.constant 0 : index
    %get3A_0 = arith.constant 0 : index
    %get3A_1 = vector.load %arg1[%get3A, %get3A_0] : memref<20000x100xf32, #tpu.memory_space<vmem>>, vector<20000x100xf32>
    %transpose3A = tpu.transpose %get3A_1, [1, 0] : vector<20000x100xf32> -> vector<100x20000xf32>
    %reduce_max3A = arith.constant dense<0xFF800000> : vector<20000xf32>
    %reduce_max3A_2 = vector.multi_reduction <maximumf>, %transpose3A, %reduce_max3A [0] : vector<100x20000xf32> to vector<20000xf32>
    %broadcast_in_dim3A = vector.shape_cast %reduce_max3A_2 : vector<20000xf32> to vector<1x20000xf32>
    %get3A_3 = arith.constant 0 : index
    %get3A_4 = arith.constant 0 : index
    %get3A_5 = arith.constant 0 : index
    %get3A_6 = vector.load %arg2[%get3A_3, %get3A_4, %get3A_5] : memref<1x1x20000xi32, #tpu.memory_space<vmem>>, vector<1x1x20000xi32>
    %get3A_7 = vector.shape_cast %get3A_6 : vector<1x1x20000xi32> to vector<1x20000xi32>
    %iota3A = tpu.iota {dimensions = array<i32: 0>} : vector<100x20000xi32>
    %eq3A = vector.broadcast %get3A_7 : vector<1x20000xi32> to vector<100x20000xi32>
    %eq3A_8 = arith.cmpi eq, %iota3A, %eq3A : vector<100x20000xi32>
    %eq3A_9 = vector.broadcast %broadcast_in_dim3A : vector<1x20000xf32> to vector<100x20000xf32>
    %eq3A_10 = arith.cmpf oeq, %transpose3A, %eq3A_9 : vector<100x20000xf32>
    %and3A = arith.andi %eq3A_8, %eq3A_10 : vector<100x20000xi1>
    %jit3A = arith.constant 1.000000e+00 : f32
    %jit3A_11 = arith.constant 0.000000e+00 : f32
    %broadcast_in_dim3A_12 = vector.broadcast %jit3A : f32 to vector<100x20000xf32>
    %broadcast_in_dim3A_13 = vector.broadcast %jit3A_11 : f32 to vector<100x20000xf32>
    %select_n3A = arith.select %and3A, %broadcast_in_dim3A_12, %broadcast_in_dim3A_13 : vector<100x20000xi1>, vector<100x20000xf32>
    %mul3A = arith.constant 0.72134751 : f32
    %mul3A_14 = vector.broadcast %mul3A : f32 to vector<100x20000xf32>
    %mul3A_15 = arith.mulf %transpose3A, %mul3A_14 : vector<100x20000xf32>
    %mul3A_16 = arith.constant 0.72134751 : f32
    %mul3A_17 = vector.broadcast %mul3A_16 : f32 to vector<1x20000xf32>
    %mul3A_18 = arith.mulf %broadcast_in_dim3A, %mul3A_17 : vector<1x20000xf32>
    %sub3A = vector.broadcast %mul3A_18 : vector<1x20000xf32> to vector<100x20000xf32>
    %sub3A_19 = arith.subf %mul3A_15, %sub3A : vector<100x20000xf32>
    %exp23A = math.exp2 %sub3A_19 : vector<100x20000xf32>
    %broadcast_in_dim3A_20 = arith.constant 1.000000e+00 : f32
    %broadcast_in_dim3A_21 = vector.broadcast %broadcast_in_dim3A_20 : f32 to vector<1x100xf32>
    %dot_general3A = arith.constant dense<0.000000e+00> : vector<1x20000xf32>
    %dot_general3A_22 = tpu.matmul %broadcast_in_dim3A_21, %select_n3A, %dot_general3A {dimension_numbers = #tpu.dot_dimension_numbers<[1], [0], [0], [1], [0, 0, 1, 1], [], []>, transpose_lhs_hint = false} : vector<1x100xf32>, vector<100x20000xf32>, vector<1x20000xf32> -> vector<1x20000xf32>
    %dot_general3A_23 = arith.constant dense<0.000000e+00> : vector<1x20000xf32>
    %dot_general3A_24 = tpu.matmul %broadcast_in_dim3A_21, %exp23A, %dot_general3A_23 {dimension_numbers = #tpu.dot_dimension_numbers<[1], [0], [0], [1], [0, 0, 1, 1], [], []>, transpose_lhs_hint = false} : vector<1x100xf32>, vector<100x20000xf32>, vector<1x20000xf32> -> vector<1x20000xf32>
    %div3A = arith.constant 1.000000e+00 : f32
    %div3A_25 = vector.broadcast %div3A : f32 to vector<1x20000xf32>
    %div3A_26 = arith.divf %div3A_25, %dot_general3A_24 : vector<1x20000xf32>
    %eq3A_27 = arith.constant 1.000000e+00 : f32
    %eq3A_28 = vector.broadcast %eq3A_27 : f32 to vector<1x20000xf32>
    %eq3A_29 = arith.cmpf oeq, %div3A_26, %eq3A_28 : vector<1x20000xf32>
    %jit3A_30 = arith.constant 0.999998986 : f32
    %broadcast_in_dim3A_31 = vector.broadcast %jit3A_30 : f32 to vector<1x20000xf32>
    %select_n3A_32 = arith.select %eq3A_29, %broadcast_in_dim3A_31, %div3A_26 : vector<1x20000xi1>, vector<1x20000xf32>
    %mul3A_33 = arith.constant 1.500000e+01 : f32
    %mul3A_34 = vector.broadcast %mul3A_33 : f32 to vector<1x20000xf32>
    %mul3A_35 = arith.mulf %select_n3A_32, %mul3A_34 : vector<1x20000xf32>
    %floor3A = math.floor %mul3A_35 : vector<1x20000xf32>
    %convert_element_type3A = arith.fptosi %floor3A : vector<1x20000xf32> to vector<1x20000xi32>
    %min3A = arith.constant 14 : i32
    %min3A_36 = vector.broadcast %min3A : i32 to vector<1x20000xi32>
    %min3A_37 = arith.minsi %convert_element_type3A, %min3A_36 : vector<1x20000xi32>
    %convert_element_type3A_38 = arith.fptosi %dot_general3A_22 : vector<1x20000xf32> to vector<1x20000xi32>
    %mul3A_39 = arith.constant 16 : i32
    %mul3A_40 = vector.broadcast %mul3A_39 : i32 to vector<1x20000xi32>
    %mul3A_41 = arith.muli %mul3A_40, %convert_element_type3A_38 : vector<1x20000xi32>
    %add3A = arith.addi %min3A_37, %mul3A_41 : vector<1x20000xi32>
    %min3A_42 = arith.constant 0.999997973 : f32
    %min3A_43 = vector.broadcast %min3A_42 : f32 to vector<1x20000xf32>
    %min3A_44 = arith.minimumf %select_n3A_32, %min3A_43 : vector<1x20000xf32>
    %convert_element_type3A_45 = arith.sitofp %add3A : vector<1x20000xi32> to vector<1x20000xf32>
    %add3A_46 = arith.addf %convert_element_type3A_45, %min3A_44 : vector<1x20000xf32>
    %swap3A = arith.constant 0 : index
    %swap3A_47 = arith.constant 0 : index
    %swap3A_48 = arith.constant 0 : index
    %swap3A_49 = vector.load %arg3[%swap3A, %swap3A_47, %swap3A_48] : memref<1x1x20000xf32, #tpu.memory_space<vmem>>, vector<1x1x20000xf32>
    %swap3A_50 = vector.shape_cast %swap3A_49 : vector<1x1x20000xf32> to vector<1x20000xf32>
    %swap3A_51 = vector.shape_cast %add3A_46 : vector<1x20000xf32> to vector<1x1x20000xf32>
    tpu.vector_store %arg3[%swap3A, %swap3A_47, %swap3A_48], %swap3A_51 {strides = array<i32>} : memref<1x1x20000xf32, #tpu.memory_space<vmem>>, vector<1x1x20000xf32>,
    return
  }
  func.func @transform_0(%arg0: i32) -> (i32, i32) {
    %c0_i32 = arith.constant 0 : i32
    %c0_i32_0 = arith.constant 0 : i32
    return %arg0, %c0_i32 : i32, i32
  }
  func.func @transform_1(%arg0: i32) -> (i32, i32, i32) {
    %c0_i32 = arith.constant 0 : i32
    %c0_i32_0 = arith.constant 0 : i32
    %c0_i32_1 = arith.constant 0 : i32
    return %arg0, %c0_i32, %c0_i32_0 : i32, i32, i32
  }
  func.func @transform_2(%arg0: i32) -> (i32, i32, i32) {
    %c0_i32 = arith.constant 0 : i32
    %c0_i32_0 = arith.constant 0 : i32
    %c0_i32_1 = arith.constant 0 : i32
    return %arg0, %c0_i32, %c0_i32_0 : i32, i32, i32
  }
}

module attributes {stable_mosaic.version = 14 : i64} {
  func.func @_combine_body(%arg0: memref<128x16xf32, #tpu.memory_space<vmem>>, %arg1: memref<1x1xf32, #tpu.memory_space<vmem>>) attributes {dimension_semantics = [], scalar_prefetch = 0 : i64, scratch_operands = 0 : i64, tpu.core_type = #tpu.core_type<tc>} {
    %get3A = arith.constant 0 : index
    %get3A_0 = arith.constant 0 : index
    %get3A_1 = vector.load %arg0[%get3A, %get3A_0] : memref<128x16xf32, #tpu.memory_space<vmem>>, vector<128x16xf32>
    %iota3A = tpu.iota {dimensions = array<i32: 0>} : vector<128x16xi32>
    %jit3A = arith.constant 4 : i32
    %eq3A = arith.constant 0 : i32
    %eq3A_2 = arith.cmpi eq, %jit3A, %eq3A : i32
    %jit3A_3 = arith.constant 1 : i32
    %select_n3A = arith.select %eq3A_2, %jit3A_3, %jit3A : i32
    %rem3A = vector.broadcast %select_n3A : i32 to vector<128x16xi32>
    %rem3A_4 = arith.remsi %iota3A, %rem3A : vector<128x16xi32>
    %ne3A = arith.constant 0 : i32
    %ne3A_5 = vector.broadcast %ne3A : i32 to vector<128x16xi32>
    %ne3A_6 = arith.cmpi ne, %rem3A_4, %ne3A_5 : vector<128x16xi32>
    %lt3A = arith.constant 0 : i32
    %lt3A_7 = vector.broadcast %lt3A : i32 to vector<128x16xi32>
    %lt3A_8 = arith.cmpi slt, %rem3A_4, %lt3A_7 : vector<128x16xi32>
    %lt3A_9 = arith.constant 0 : i32
    %lt3A_10 = arith.cmpi slt, %select_n3A, %lt3A_9 : i32
    %ne3A_11 = vector.broadcast %lt3A_10 : i1 to vector<128x16xi1>
    %ne3A_12 = vector.broadcast %ne3A_11 : vector<128x16xi1> to vector<128x16xi1>
    %ne3A_13 = arith.xori %lt3A_8, %ne3A_12 : vector<128x16xi1>
    %and3A = arith.andi %ne3A_13, %ne3A_6 : vector<128x16xi1>
    %add3A = vector.broadcast %select_n3A : i32 to vector<128x16xi32>
    %add3A_14 = arith.addi %rem3A_4, %add3A : vector<128x16xi32>
    %select_n3A_15 = arith.select %and3A, %add3A_14, %rem3A_4 : vector<128x16xi1>, vector<128x16xi32>
    %eq3A_16 = arith.constant 0 : i32
    %eq3A_17 = vector.broadcast %eq3A_16 : i32 to vector<128x16xi32>
    %eq3A_18 = arith.cmpi eq, %select_n3A_15, %eq3A_17 : vector<128x16xi32>
    %jit3A_19 = arith.constant 0.000000e+00 : f32
    %broadcast_in_dim3A = vector.broadcast %jit3A_19 : f32 to vector<128x16xf32>
    %select_n3A_20 = arith.select %eq3A_18, %get3A_1, %broadcast_in_dim3A : vector<128x16xi1>, vector<128x16xf32>
    %reduce_sum3A = arith.constant dense<0.000000e+00> : vector<16xf32>
    %reduce_sum3A_21 = vector.multi_reduction <add>, %select_n3A_20, %reduce_sum3A [0] : vector<128x16xf32> to vector<16xf32>
    %eq3A_22 = arith.constant 1 : i32
    %eq3A_23 = vector.broadcast %eq3A_22 : i32 to vector<128x16xi32>
    %eq3A_24 = arith.cmpi eq, %select_n3A_15, %eq3A_23 : vector<128x16xi32>
    %jit3A_25 = arith.constant 0.000000e+00 : f32
    %broadcast_in_dim3A_26 = vector.broadcast %jit3A_25 : f32 to vector<128x16xf32>
    %select_n3A_27 = arith.select %eq3A_24, %get3A_1, %broadcast_in_dim3A_26 : vector<128x16xi1>, vector<128x16xf32>
    %reduce_sum3A_28 = arith.constant dense<0.000000e+00> : vector<16xf32>
    %reduce_sum3A_29 = vector.multi_reduction <add>, %select_n3A_27, %reduce_sum3A_28 [0] : vector<128x16xf32> to vector<16xf32>
    %eq3A_30 = arith.constant 2 : i32
    %eq3A_31 = vector.broadcast %eq3A_30 : i32 to vector<128x16xi32>
    %eq3A_32 = arith.cmpi eq, %select_n3A_15, %eq3A_31 : vector<128x16xi32>
    %jit3A_33 = arith.constant 0.000000e+00 : f32
    %broadcast_in_dim3A_34 = vector.broadcast %jit3A_33 : f32 to vector<128x16xf32>
    %select_n3A_35 = arith.select %eq3A_32, %get3A_1, %broadcast_in_dim3A_34 : vector<128x16xi1>, vector<128x16xf32>
    %reduce_sum3A_36 = arith.constant dense<0.000000e+00> : vector<16xf32>
    %reduce_sum3A_37 = vector.multi_reduction <add>, %select_n3A_35, %reduce_sum3A_36 [0] : vector<128x16xf32> to vector<16xf32>
    %eq3A_38 = arith.constant 3 : i32
    %eq3A_39 = vector.broadcast %eq3A_38 : i32 to vector<128x16xi32>
    %eq3A_40 = arith.cmpi eq, %select_n3A_15, %eq3A_39 : vector<128x16xi32>
    %jit3A_41 = arith.constant 0.000000e+00 : f32
    %broadcast_in_dim3A_42 = vector.broadcast %jit3A_41 : f32 to vector<128x16xf32>
    %select_n3A_43 = arith.select %eq3A_40, %get3A_1, %broadcast_in_dim3A_42 : vector<128x16xi1>, vector<128x16xf32>
    %reduce_sum3A_44 = arith.constant dense<0.000000e+00> : vector<16xf32>
    %reduce_sum3A_45 = vector.multi_reduction <add>, %select_n3A_43, %reduce_sum3A_44 [0] : vector<128x16xf32> to vector<16xf32>
    %add3A_46 = arith.addf %reduce_sum3A_21, %reduce_sum3A_29 : vector<16xf32>
    %add3A_47 = arith.addf %reduce_sum3A_37, %reduce_sum3A_45 : vector<16xf32>
    %max3A = arith.constant 1.000000e+00 : f32
    %max3A_48 = vector.broadcast %max3A : f32 to vector<16xf32>
    %max3A_49 = arith.maximumf %add3A_46, %max3A_48 : vector<16xf32>
    %div3A = arith.divf %reduce_sum3A_29, %max3A_49 : vector<16xf32>
    %jit3A_50 = arith.constant 0.00999999977 : f32
    %jit3A_51 = arith.constant 9.900000e-01 : f32
    %max3A_52 = vector.broadcast %jit3A_50 : f32 to vector<16xf32>
    %max3A_53 = arith.maximumf %max3A_52, %div3A : vector<16xf32>
    %min3A = vector.broadcast %jit3A_51 : f32 to vector<16xf32>
    %min3A_54 = arith.minimumf %min3A, %max3A_53 : vector<16xf32>
    %div3A_55 = arith.divf %add3A_47, %max3A_49 : vector<16xf32>
    %div3A_56 = arith.constant 1.000000e+06 : f32
    %div3A_57 = vector.broadcast %div3A_56 : f32 to vector<16xf32>
    %div3A_58 = arith.divf %add3A_46, %div3A_57 : vector<16xf32>
    %gt3A = arith.constant 1.000000e+01 : f32
    %gt3A_59 = vector.broadcast %gt3A : f32 to vector<16xf32>
    %gt3A_60 = arith.cmpf ogt, %add3A_46, %gt3A_59 : vector<16xf32>
    %sub3A = arith.subf %div3A_55, %min3A_54 : vector<16xf32>
    %abs3A = math.absf %sub3A : vector<16xf32>
    %mul3A = arith.mulf %abs3A, %div3A_58 : vector<16xf32>
    %jit3A_61 = arith.constant 0.000000e+00 : f32
    %broadcast_in_dim3A_62 = vector.broadcast %jit3A_61 : f32 to vector<16xf32>
    %select_n3A_63 = arith.select %gt3A_60, %mul3A, %broadcast_in_dim3A_62 : vector<16xi1>, vector<16xf32>
    %iota3A_64 = tpu.iota {dimensions = array<i32: 1>} : vector<1x16xi32>
    %iota3A_65 = vector.shape_cast %iota3A_64 : vector<1x16xi32> to vector<16xi32>
    %lt3A_66 = arith.constant 15 : i32
    %lt3A_67 = vector.broadcast %lt3A_66 : i32 to vector<16xi32>
    %lt3A_68 = arith.cmpi slt, %iota3A_65, %lt3A_67 : vector<16xi32>
    %jit3A_69 = arith.constant 0.000000e+00 : f32
    %broadcast_in_dim3A_70 = vector.broadcast %jit3A_69 : f32 to vector<16xf32>
    %select_n3A_71 = arith.select %lt3A_68, %select_n3A_63, %broadcast_in_dim3A_70 : vector<16xi1>, vector<16xf32>
    %reshape3A = vector.shape_cast %select_n3A_71 : vector<16xf32> to vector<1x16xf32>
    %reduce_sum3A_72 = arith.constant dense<0.000000e+00> : vector<1xf32>
    %reduce_sum3A_73 = vector.multi_reduction <add>, %reshape3A, %reduce_sum3A_72 [1] : vector<1x16xf32> to vector<1xf32>
    %broadcast_in_dim3A_74 = vector.shape_cast %reduce_sum3A_73 : vector<1xf32> to vector<1x1xf32>
    %swap3A = arith.constant 0 : index
    %swap3A_75 = arith.constant 0 : index
    %swap3A_76 = vector.load %arg1[%swap3A, %swap3A_75] : memref<1x1xf32, #tpu.memory_space<vmem>>, vector<1x1xf32>
    tpu.vector_store %arg1[%swap3A, %swap3A_75], %broadcast_in_dim3A_74 {strides = array<i32>} : memref<1x1xf32, #tpu.memory_space<vmem>>, vector<1x1xf32>,
    return
  }
}

</mosaic_0001>

<sc_bundles>
// kernel: kernel.5.cloned.1.call-start
scs
__scs_entry_jumppad:
0x0: {  	(pc) =	sbr.rel $0x88, $3  }
0x1: {  	(tag) =	ssettag $0x0;
	lr =	simm.s32 $0x1  }
0x2: {  	[smem:$0x3F9F] =	sst lr;
	_ =	strace $0xD0000000  }
0x3: {  	_ = 	snop  }
0x4: {  	_ = 	snop  }
0x5: {  	_ = 	snop  }
0x6: {  	_ = 	snop  }
0x7: {  	_ = 	snop  }
__scs_overlays_trampoline_lowered:
0x8: {  	[smem:$0x3FAE] =	sst s0  }
0x9: {  	[smem:$0x3FAF] =	sst s1  }
0xa: {  	[smem:$0x3FB0] =	sst s2  }
0xb: {  	[smem:$0x3FB1] =	sst s3  }
0xc: {  	[smem:$0x3FB2] =	sst s4  }
0xd: {  	[smem:$0x3FB3] =	sst s5  }
0xe: {  	[smem:$0x3FB4] =	sst s6  }
0xf: {  	[smem:$0x3FB5] =	sst s7  }
0x10: {  	[smem:$0x3FB6] =	sst s8  }
0x11: {  	[smem:$0x3FB7] =	sst s9;
	s0 =	simm.s32 @!p0 $0x0  }
0x12: {  	s1 =	sld [smem:$0x3F9D];
	s0 =	simm.s32 @p0 $0x1  }
0x13: {  	[smem:$0x3FB8] =	sst s0;
	s0 =	simm.s32 @!p1 $0x0  }
0x14: {  	s2 =	sld [smem:$0x3F9C];
	s0 =	simm.s32 @p1 $0x1  }
0x15: {  	[smem:$0x3FB9] =	sst s0;
	s0 =	simm.s32 @!p2 $0x0  }
0x16: {  	s3 =	sld [smem:$0x3FDB];
	s0 =	simm.s32 @p2 $0x1  }
0x17: {  	s4 =	simm.s32 $0x1BF5;
	[smem:$0x3FBB] =	sst s0  }
0x18: {  	s0 =	sld [smem:$0x3F9E];
	_ =	swait.ge [sflag:s4], $0x0  }
0x19: {  	s7 =	sld [smem:$0x3F9F]  }
0x1a: {  	s8 =	sadd.s32 $0xFFFFE003, lr  }
0x1b: {  	s9 =	sadd.s32 $0xFFFFFEF7, lr;
	s5 =	simm.s32 $0xFFFFFFFF;
	p2 =	slt.u32 s8, $0xFFFFF086  }
0x1c: {  	p1 =	slt.u32 s9, $0xF7A;
	s5 =	simm.s32 @!p2 $0x0  }
0x1d: {  	s5 =	simm.s32 @p1 $0x1;
	p0 =	seq.s32 s7, s2  }
0x1e: {  	s7 =	smul.u32 @!p0 $0xF7A, s2;
	p2 =	seq.s32 @!p0 s5, $0x0  }
0x1f: {  	s9 =	smul.u32 $0xF7A, s1;
	s8 =	simm.s32 @!p0 $0x1BF5;
	p2 =	por !p2, p0  }
0x20: {  	[sflag:s8] =	ssyncset.s32 @!p0 $0xFFFFF086;
	s6 =	sadd.s32 @!p0 s3, s7;
	s7 =	simm.s32 @!p0 $0x108  }
0x21: {  	s3 =	sadd.s32 s3, s9;
	s6 =	sadd.s32 @!p0 $0x88, s6;
	s7 =	simm.s32 @p2 $0x1082  }
0x22: {  	[simem:s7], [sflag:s8] =	dma.local @!p0 [hbm:s6], $0xF7A  }
0x23: {  	s9 =	sor.u32 $0xD0000000, s2;
	s6 =	simm.s32 $0x108;
	_ =	swait.ge @!p0 [sflag:s8], $0x0  }
0x24: {  	s3 =	sadd.s32 $0x88, s3;
	s6 =	simm.s32 @!p1 $0x1082;
	[sflag:s4] =	ssyncset.s32 $0xFFFFF086  }
0x25: {  	[simem:s6], [sflag:s4] =	dma.local [hbm:s3], $0xF7A  }
0x26: {  	[smem:$0x3F9F] =	sst s1;
	(tag) =	ssettag s2;
	_ =	strace s9  }
0x27: {  	s1 =	sld [smem:$0x3FAF]  }
0x28: {  	s2 =	sld [smem:$0x3FB0]  }
0x29: {  	s4 =	sld [smem:$0x3FB2]  }
0x2a: {  	p0 =	seq.s32 s5, $0x0;
	s5 =	sld [smem:$0x3FB3]  }
0x2b: {  	s6 =	sld [smem:$0x3FB4]  }
0x2c: {  	s7 =	sld [smem:$0x3FB5]  }
0x2d: {  	s3 =	simm.s32 $0x108;
	s8 =	sld [smem:$0x3FB6]  }
0x2e: {  	s3 =	simm.s32 @!p0 $0x1082;
	s9 =	sld [smem:$0x3FB7]  }
0x2f: {  	lr =	sadd.s32 s0, s3;
	s0 =	sld [smem:$0x3FAE]  }
0x30: {  	s3 =	sld [smem:$0x3FB1]  }
0x31: {  	[smem:$0x3FBA] =	sst s10  }
0x32: {  	s10 =	sld [smem:$0x3FB8];
	_ =	sdelay $0x3  }
0x33: {  	p0 =	seq.s32 s10, $0x1;
	s10 =	sld [smem:$0x3FBA];
	_ =	sdelay $0x3  }
0x34: {  	[smem:$0x3FBA] =	sst s10  }
0x35: {  	s10 =	sld [smem:$0x3FB9];
	_ =	sdelay $0x3  }
0x36: {  	p1 =	seq.s32 s10, $0x1;
	s10 =	sld [smem:$0x3FBA];
	_ =	sdelay $0x3  }
0x37: {  	[smem:$0x3FBA] =	sst s10  }
0x38: {  	s10 =	sld [smem:$0x3FBB]  }
0x39: {  	_ = 	snop;
	(pc) =	sbr.ind lr, $3  }
0x3a: {  	_ = 	snop  }
0x3b: {  	_ = 	snop  }
0x3c: {  	p2 =	seq.s32 s10, $0x1;
	s10 =	sld [smem:$0x3FBA]  }
0x3d: {  	_ =	shalt  }
0x3e: {  	_ =	shalt  }
0x3f: {  	_ =	shalt  }
0x40: {  	_ =	shalt  }
0x41: {  	_ =	shalt  }
0x42: {  	_ =	shalt  }
0x43: {  	_ =	shalt  }
0x44: {  	_ =	shalt  }
0x45: {  	_ =	shalt  }
0x46: {  	_ =	shalt  }
0x47: {  	_ =	shalt  }
0x48: {  	_ =	shalt  }
0x49: {  	_ =	shalt  }
0x4a: {  	_ =	shalt  }
0x4b: {  	_ =	shalt  }
0x4c: {  	_ =	shalt  }
0x4d: {  	_ =	shalt  }
0x4e: {  	_ =	shalt  }
0x4f: {  	_ =	shalt  }
0x50: {  	_ =	shalt  }
0x51: {  	_ =	shalt  }
0x52: {  	_ =	shalt  }
0x53: {  	_ =	shalt  }
0x54: {  	_ =	shalt  }
0x55: {  	_ =	shalt  }
0x56: {  	_ =	shalt  }
0x57: {  	_ =	shalt  }
0x58: {  	_ =	shalt  }
0x59: {  	_ =	shalt  }
0x5a: {  	_ =	shalt  }
0x5b: {  	_ =	shalt  }
0x5c: {  	_ =	shalt  }
0x5d: {  	_ =	shalt  }
0x5e: {  	_ =	shalt  }
0x5f: {  	_ =	shalt  }
0x60: {  	_ =	shalt  }
0x61: {  	_ =	shalt  }
0x62: {  	_ =	shalt  }
0x63: {  	_ =	shalt  }
0x64: {  	_ =	shalt  }
0x65: {  	_ =	shalt  }
0x66: {  	_ =	shalt  }
0x67: {  	_ =	shalt  }
0x68: {  	_ =	shalt  }
0x69: {  	_ =	shalt  }
0x6a: {  	_ =	shalt  }
0x6b: {  	_ =	shalt  }
0x6c: {  	_ =	shalt  }
0x6d: {  	_ =	shalt  }
0x6e: {  	_ =	shalt  }
0x6f: {  	_ =	shalt  }
0x70: {  	_ =	shalt  }
0x71: {  	_ =	shalt  }
0x72: {  	_ =	shalt  }
0x73: {  	_ =	shalt  }
0x74: {  	_ =	shalt  }
0x75: {  	_ =	shalt  }
0x76: {  	_ =	shalt  }
0x77: {  	_ =	shalt  }
0x78: {  	_ =	shalt  }
0x79: {  	_ =	shalt  }
0x7a: {  	_ =	shalt  }
0x7b: {  	_ =	shalt  }
0x7c: {  	_ =	shalt  }
0x7d: {  	_ =	shalt  }
0x7e: {  	_ =	shalt  }
0x7f: {  	_ =	shalt  }
0x80: {  	_ =	shalt  }
0x81: {  	_ =	shalt  }
0x82: {  	_ =	shalt  }
0x83: {  	_ =	shalt  }
0x84: {  	_ =	shalt  }
0x85: {  	_ =	shalt  }
0x86: {  	_ =	shalt  }
0x87: {  	_ =	shalt  }
.Lfunc_end0:
.L_simem_size_0:
called_computation_lowered:
.L_overlay_start_0:
0x88: {  	s2 =	sld [smem:$0x3FD9]  }
0x89: {  	s3 =	sld [smem:$0x3FFE];
	_ =	sdelay $0x1  }
0x8a: {  	s1 =	srdreg.scid  }
0x8b: {  	s0 =	sand.u32 $0x1, s1  }
0x8c: {  	s16 =	sshll.u32 s0, $0xA;
	s2 =	sadd.s32 s3, s2  }
0x8d: {  	s2 =	sadd.s32 s2, s16  }
0x8e: {  	[smem:$0x3FC6] =	sst s2  }
0x8f: {  	_ = 	snop  }
0x90: {  	(tm) =	ssettm $0x1  }
0x91: {  	s17 =	sld [smem:$0x3FFB];
	_ =	sdelay $0x3  }
0x92: {  	_ =	strace s17  }
0x93: {  	s2 =	sld [smem:$0x3FFC];
	_ =	sdelay $0x3  }
0x94: {  	_ =	strace s2  }
0x95: {  	s2 =	sld [smem:$0x3FFD];
	_ =	sdelay $0x3  }
0x96: {  	_ =	strace s2  }
0x97: {  	_ =	strace $0x8FFFFFFF  }
0x98: {  	s18 =	sld [smem:$0x3FDB];
	_ =	sdelay $0x1  }
0x99: {  	s19 =	simm.s32 $_scs_section_size  }
0x9a: {  	s4 =	simm.s32 $_size__tile_overlayer_lowered;
	s5 =	simm.s32 $_tile_overlayer_lowered  }
0x9b: {  	s22 =	simm.s32 $0x1BFF;
	s21 =	sshll.u32 s5, $0x1;
	s2 =	sadd.s32 s19, s18  }
0x9c: {  	s6 =	simm.s32 $0x0;
	s20 =	sshll.u32 s4, $0x1;
	s4 =	sadd.s32 s21, s2  }
0x9d: {  	[timem:s6], [sflag:s22] =	dma.local [hbm:s4], s20  }
0x9e: {  	_ =	swait.ge [sflag:s22], s20  }
0x9f: {  	s3 =	ssub.s32 $0x0, s20;
	[sflag:s22] =	ssyncset.done $0x0  }
0xa0: {  	[sflag:s22] =	ssyncadd.s32 s3;
	_ =	sdelay $0x1  }
0xa1: {  	s23 =	simm.s32 $0x1B8B  }
0xa2: {  	_ =	swait.ge [sflag:s23], $0x1  }
0xa3: {  	[sflag:s23] =	ssyncset.done $0x0  }
0xa4: {  	s25 =	simm.s32 $0x1B8E;
	s24 =	sld [smem:$0x3FFE];
	[sflag:s23] =	ssyncadd.s32 $0xFFFFFFFF  }
0xa5: {  	s26 =	simm.s32 $execute0_lowered;
	[smem:$0x3FD2] =	sst s25  }
0xa6: {  	s4 =	sshll.u32 s26, $0x1;
	_ =	strace $0x80000046;
	[dreg:$0x1] =	wrdreg $0xFFFFFFFF  }
0xa7: {  	s28 =	simm.s32 $_size_execute0_lowered;
	s2 =	sadd.s32 s2, s4;
	[dreg:$0x0] =	wrdreg $0x0  }
0xa8: {  	s4 =	sshll.u32 s28, $0x1;
	[dreg:$0x2] =	wrdreg s2  }
0xa9: {  	[dreg:$0x3] =	wrdreg s4  }
0xaa: {  	[dreg:$0x4] =	wrdreg $0xC0  }
0xab: {  	_ =	task [dreg:s6], $0x5FFFF  }
0xac: {  	[dreg:$0x1] =	wrdreg $0xFFFFFFFF  }
0xad: {  	[dreg:$0x0] =	wrdreg $0x60  }
0xae: {  	[dreg:$0x2] =	wrdreg s24  }
0xaf: {  	[dreg:$0x3] =	wrdreg $0x9  }
0xb0: {  	_ =	task.clear_ibuf [dreg:s6], $0x4FFFF;
	_ =	strace $0x90000046  }
0xb1: {  	s29 =	simm.s32 $0x9;
	_ =	strace $0x80000048  }
0xb2: {  	_ =	swait.ge [sflag:s29], $0x1  }
0xb3: {  	[sflag:s29] =	ssyncadd.s32 $0xFFFFFFFF  }
0xb4: {  	_ =	strace $0x90000048  }
0xb5: {  	_ =	sfence  }
0xb6: {  	s30 =	sld [smem:$0x0];
	_ =	sdelay $0x2  }
0xb7: {  	s31 =	sshll.u32 s1, $0xD;
	s1 =	sshrl.u32 s1, $0x2  }
0xb8: {  	s3 =	sand.u32 $0x4000, s31;
	s1 =	sadd.s32 s1, s30  }
0xb9: {  	s0 =	sor.u32 s3, s0;
	s1 =	sshll.u32 s1, $0x11  }
0xba: {  	s0 =	sor.u32 s1, s0  }
0xbb: {  	s0 =	sadd.s32 $0x8F2B, s0  }
0xbc: {  	[sflag:s0] =	ssyncadd.remote.s32 $0x1  }
0xbd: {  	_ =	sfence.sel $0xFFFF  }
0xbe: {  	[dreg:$0x0] =	wrdreg $0xFFFFFFFF;
	(pc) =	sbr.abs _section_cstart, $3  }
0xbf: {  	[dreg:$0x1] =	wrdreg $0xFFFFFFFF  }
0xc0: {  	_ =	task.clear_ibuf [dreg:s6], $0x2FFFF;
	_ =	strace $0x9FFFFFFF  }
0xc1: {  	(tm) =	ssettm $0x7FFFFFFF  }
tec
execute0_lowered:
.L_overlay_start_1:
0x0: {  	(tag) =	ssettag $0x1  }
0x1: {  	v0 =	vlaneseq.u32  }
0x2: {  	v1 =	vmul.u32 $0x10, v0;
	_ =	sdelay $0x1  }
0x3: {  	v2 =	vimm.f32 $0.0e+00;
	v3 =	vimm.f32 $1.000000000e+00;
	v4 =	vor.u32 $0x1, v1  }
0x4: {  	s1 =	srdreg.scid;
	v5 =	vor.u32 $0x2, v1;
	v6 =	vor.u32 $0x3, v1;
	v7 =	vor.u32 $0x4, v1  }
0x5: {  	s0 =	stileid.u32;
	s4 =	rddreg [dreg:$0x0];
	s2 =	simm.s32 $0x0;
	v8 =	vor.u32 $0x5, v1;
	v9 =	vor.u32 $0x6, v1;
	v10 =	vor.u32 $0x7, v1  }
0x6: {  	s9 =	simm.s32 $0x7F00;
	s3 =	sand.u32 $0x1, s1;
	s5 =	sshll.u32 s0, $0x1;
	v11 =	vor.u32 $0x8, v1;
	v12 =	vor.u32 $0x9, v1;
	v13 =	vor.u32 $0xA, v1  }
0x7: {  	s10 =	simm.s32 $0x8100;
	s1 =	rddreg [dreg:$0x1];
	s7 =	sor.u32 s3, s5;
	v14 =	vor.u32 $0xB, v1;
	v15 =	vor.u32 $0xC, v1;
	v16 =	vor.u32 $0xD, v1  }
0x8: {  	s11 =	simm.s32 $0x0;
	[smem:$0x7FF] =	sst s2;
	s5 =	smul.u32 $0xFA0, s7;
	v17 =	vor.u32 $0xE, v1;
	v18 =	vor.u32 $0xF, v1;
	v19 =	vor.u32 $0x100, v1  }
.Ltmp0:
0x9: {  	_ =	strace $0x80000047;
	s3 =	ssub.s32 $0x2, s3;
	v20 =	vor.u32 $0x101, v1;
	v21 =	vor.u32 $0x102, v1;
	v22 =	vor.u32 $0x103, v1;
	(pc) =	sbr.rel .LBB2_1-.Ltmp0, $4  }
0xa: {  	s6 =	sshll.u32 s7, $0x3;
	s8 =	sshrl.u32 s3, $0x1;
	v23 =	vor.u32 $0x104, v1;
	v24 =	vor.u32 $0x105, v1;
	v25 =	vor.u32 $0x106, v1;
	p0 =	seq.s32 s7, $0x1F  }
0xb: {  	v26 =	vor.u32 $0x107, v1;
	v27 =	vor.u32 $0x108, v1;
	v28 =	vor.u32 $0x109, v1;
	s7 =	simm.s32 $0x1;
	s6 =	sadd.s32 s6, s4;
	s5 =	sadd.s32 s5, s4  }
0xc: {  	v29 =	vor.u32 $0x10A, v1;
	v30 =	vor.u32 $0x10B, v1;
	v31 =	vor.u32 $0x10C, v1;
	s8 =	ssub.s32 s3, s8;
	s4 =	sadd.s32 $0x1E660, s4;
	s3 =	sadd.s32 $0x200, s5  }
0xd: {  	v32 =	vor.u32 $0x10D, v1;
	v33 =	vor.u32 $0x10E, v1;
	v34 =	vor.u32 $0x10F, v1;
	s5 =	sadd.s32 $0x1EC00, s6;
	s6 =	smax.u32 s8, $0x1;
	s8 =	simm.s32 $0x7D00  }
.LBB2_7:
0xe: {  	_ =	sdelay $0x3  }
0xf: {  	s12 =	sshra.s32 s12, $0x2;
	[tilespmem:v35+s9+$0x0] =	vst.idx.add.f32.msk $0xffff, v36  }
0x10: {  	v35 =	vld [tilespmem:s12+$0x0];
	_ =	sdelay $0x4  }
0x11: {  	v63 =	vtrunc.f32 v35  }
0x12: {  	v36 =	vcvt.f32.s32 v63;
	_ =	sdelay $0x1  }
0x13: {  	v37 =	vshll.u32 v36, $0x4  }
0x14: {  	v37 =	vor.u32 v0, v37;
	_ =	sdelay $0x1  }
0x15: {  	v36 =	vcvt.s32.f32 v36;
	_ =	sdelay $0x1  }
0x16: {  	v35 =	vsub.f32 v35, v36  }
0x17: {  	[tilespmem:v37+s8+$0x0] =	vst.idx.add.f32.msk $0xffff, v3  }
0x18: {  	[tilespmem:v37+s9+$0x0] =	vst.idx.add.f32.msk $0xffff, v35  }
.LBB2_8:
0x19: {  	_ =	sdelay $0x3  }
0x1a: {  	v35 =	vld.idx.msk [tilespmem:v1+s8+$0x0], $0xffff  }
0x1b: {  	v36 =	vld.idx.msk [tilespmem:v1+s9+$0x0], $0xffff  }
0x1c: {  	v37 =	vld.idx.msk [tilespmem:v4+s8+$0x0], $0xffff  }
0x1d: {  	v38 =	vld.idx.msk [tilespmem:v4+s9+$0x0], $0xffff  }
0x1e: {  	v39 =	vld.idx.msk [tilespmem:v5+s8+$0x0], $0xffff  }
0x1f: {  	v40 =	vld.idx.msk [tilespmem:v5+s9+$0x0], $0xffff;
	v35 =	vadd.f32 $0.0e+00, v35  }
0x20: {  	v41 =	vld.idx.msk [tilespmem:v6+s8+$0x0], $0xffff;
	v36 =	vadd.f32 $0.0e+00, v36  }
0x21: {  	v49 =	vld.idx.msk [tilespmem:v6+s9+$0x0], $0xffff;
	v35 =	vadd.f32 v37, v35  }
0x22: {  	v50 =	vld.idx.msk [tilespmem:v7+s8+$0x0], $0xffff;
	v36 =	vadd.f32 v38, v36  }
0x23: {  	v51 =	vld.idx.msk [tilespmem:v7+s9+$0x0], $0xffff;
	v35 =	vadd.f32 v39, v35  }
0x24: {  	v52 =	vld.idx.msk [tilespmem:v8+s8+$0x0], $0xffff;
	v36 =	vadd.f32 v40, v36  }
0x25: {  	v53 =	vld.idx.msk [tilespmem:v8+s9+$0x0], $0xffff;
	v35 =	vadd.f32 v41, v35  }
0x26: {  	v54 =	vld.idx.msk [tilespmem:v9+s8+$0x0], $0xffff;
	v36 =	vadd.f32 v49, v36  }
0x27: {  	v55 =	vld.idx.msk [tilespmem:v9+s9+$0x0], $0xffff;
	v35 =	vadd.f32 v50, v35  }
0x28: {  	v56 =	vld.idx.msk [tilespmem:v10+s8+$0x0], $0xffff;
	v36 =	vadd.f32 v51, v36  }
0x29: {  	v57 =	vld.idx.msk [tilespmem:v10+s9+$0x0], $0xffff;
	v35 =	vadd.f32 v52, v35  }
0x2a: {  	v58 =	vld.idx.msk [tilespmem:v11+s8+$0x0], $0xffff;
	v36 =	vadd.f32 v53, v36  }
0x2b: {  	v59 =	vld.idx.msk [tilespmem:v11+s9+$0x0], $0xffff;
	v35 =	vadd.f32 v54, v35  }
0x2c: {  	v60 =	vld.idx.msk [tilespmem:v12+s8+$0x0], $0xffff;
	v36 =	vadd.f32 v55, v36  }
0x2d: {  	v61 =	vld.idx.msk [tilespmem:v12+s9+$0x0], $0xffff;
	v35 =	vadd.f32 v56, v35  }
0x2e: {  	v62 =	vld.idx.msk [tilespmem:v13+s8+$0x0], $0xffff;
	v36 =	vadd.f32 v57, v36  }
0x2f: {  	v63 =	vld.idx.msk [tilespmem:v13+s9+$0x0], $0xffff;
	v35 =	vadd.f32 v58, v35  }
0x30: {  	v44 =	vld.idx.msk [tilespmem:v14+s8+$0x0], $0xffff;
	v36 =	vadd.f32 v59, v36  }
0x31: {  	v45 =	vld.idx.msk [tilespmem:v14+s9+$0x0], $0xffff;
	v35 =	vadd.f32 v60, v35  }
0x32: {  	v46 =	vld.idx.msk [tilespmem:v15+s8+$0x0], $0xffff;
	v36 =	vadd.f32 v61, v36  }
0x33: {  	v47 =	vld.idx.msk [tilespmem:v15+s9+$0x0], $0xffff;
	v35 =	vadd.f32 v62, v35  }
0x34: {  	v48 =	vld.idx.msk [tilespmem:v16+s8+$0x0], $0xffff;
	v36 =	vadd.f32 v63, v36  }
0x35: {  	v49 =	vld.idx.msk [tilespmem:v16+s9+$0x0], $0xffff;
	v35 =	vadd.f32 v44, v35  }
0x36: {  	v50 =	vld.idx.msk [tilespmem:v17+s8+$0x0], $0xffff;
	v36 =	vadd.f32 v45, v36  }
0x37: {  	v51 =	vld.idx.msk [tilespmem:v17+s9+$0x0], $0xffff;
	v35 =	vadd.f32 v46, v35  }
0x38: {  	v52 =	vld.idx.msk [tilespmem:v18+s8+$0x0], $0xffff;
	v36 =	vadd.f32 v47, v36  }
0x39: {  	v53 =	vld.idx.msk [tilespmem:v18+s9+$0x0], $0xffff;
	v35 =	vadd.f32 v48, v35  }
0x3a: {  	v36 =	vadd.f32 v49, v36  }
0x3b: {  	v35 =	vadd.f32 v50, v35  }
0x3c: {  	v36 =	vadd.f32 v51, v36  }
0x3d: {  	v35 =	vadd.f32 v52, v35  }
0x3e: {  	v36 =	vadd.f32 v53, v36  }
0x3f: {  	[tilespmem:$0x8100] =	vst v35  }
0x40: {  	[tilespmem:$0x8120] =	vst v36  }
0x41: {  	v35 =	vld.idx.msk [tilespmem:v19+s8+$0x0], $0xffff  }
0x42: {  	v36 =	vld.idx.msk [tilespmem:v19+s9+$0x0], $0xffff  }
0x43: {  	v54 =	vld.idx.msk [tilespmem:v20+s8+$0x0], $0xffff  }
0x44: {  	v55 =	vld.idx.msk [tilespmem:v20+s9+$0x0], $0xffff  }
0x45: {  	v56 =	vld.idx.msk [tilespmem:v21+s8+$0x0], $0xffff  }
0x46: {  	v57 =	vld.idx.msk [tilespmem:v21+s9+$0x0], $0xffff;
	v35 =	vadd.f32 $0.0e+00, v35  }
0x47: {  	v58 =	vld.idx.msk [tilespmem:v22+s8+$0x0], $0xffff;
	v36 =	vadd.f32 $0.0e+00, v36  }
0x48: {  	v59 =	vld.idx.msk [tilespmem:v22+s9+$0x0], $0xffff;
	v35 =	vadd.f32 v54, v35  }
0x49: {  	v60 =	vld.idx.msk [tilespmem:v23+s8+$0x0], $0xffff;
	v36 =	vadd.f32 v55, v36  }
0x4a: {  	v61 =	vld.idx.msk [tilespmem:v23+s9+$0x0], $0xffff;
	v35 =	vadd.f32 v56, v35  }
0x4b: {  	v62 =	vld.idx.msk [tilespmem:v24+s8+$0x0], $0xffff;
	v36 =	vadd.f32 v57, v36  }
0x4c: {  	v63 =	vld.idx.msk [tilespmem:v24+s9+$0x0], $0xffff;
	v35 =	vadd.f32 v58, v35  }
0x4d: {  	v44 =	vld.idx.msk [tilespmem:v25+s8+$0x0], $0xffff;
	v36 =	vadd.f32 v59, v36  }
0x4e: {  	v45 =	vld.idx.msk [tilespmem:v25+s9+$0x0], $0xffff;
	v35 =	vadd.f32 v60, v35  }
0x4f: {  	v46 =	vld.idx.msk [tilespmem:v26+s8+$0x0], $0xffff;
	v36 =	vadd.f32 v61, v36  }
0x50: {  	v47 =	vld.idx.msk [tilespmem:v26+s9+$0x0], $0xffff;
	v35 =	vadd.f32 v62, v35  }
0x51: {  	v48 =	vld.idx.msk [tilespmem:v27+s8+$0x0], $0xffff;
	v36 =	vadd.f32 v63, v36  }
0x52: {  	v49 =	vld.idx.msk [tilespmem:v27+s9+$0x0], $0xffff;
	v35 =	vadd.f32 v44, v35  }
0x53: {  	v50 =	vld.idx.msk [tilespmem:v28+s8+$0x0], $0xffff;
	v36 =	vadd.f32 v45, v36  }
0x54: {  	v51 =	vld.idx.msk [tilespmem:v28+s9+$0x0], $0xffff;
	v35 =	vadd.f32 v46, v35  }
0x55: {  	v52 =	vld.idx.msk [tilespmem:v29+s8+$0x0], $0xffff;
	v36 =	vadd.f32 v47, v36  }
0x56: {  	v53 =	vld.idx.msk [tilespmem:v29+s9+$0x0], $0xffff;
	v35 =	vadd.f32 v48, v35  }
0x57: {  	v54 =	vld.idx.msk [tilespmem:v30+s8+$0x0], $0xffff;
	v36 =	vadd.f32 v49, v36  }
0x58: {  	v55 =	vld.idx.msk [tilespmem:v30+s9+$0x0], $0xffff;
	v35 =	vadd.f32 v50, v35  }
0x59: {  	v56 =	vld.idx.msk [tilespmem:v31+s8+$0x0], $0xffff;
	v36 =	vadd.f32 v51, v36  }
0x5a: {  	v57 =	vld.idx.msk [tilespmem:v31+s9+$0x0], $0xffff;
	v35 =	vadd.f32 v52, v35  }
0x5b: {  	v58 =	vld.idx.msk [tilespmem:v32+s8+$0x0], $0xffff;
	v36 =	vadd.f32 v53, v36  }
0x5c: {  	v59 =	vld.idx.msk [tilespmem:v32+s9+$0x0], $0xffff;
	v35 =	vadd.f32 v54, v35  }
0x5d: {  	v60 =	vld.idx.msk [tilespmem:v33+s8+$0x0], $0xffff;
	v36 =	vadd.f32 v55, v36  }
0x5e: {  	v61 =	vld.idx.msk [tilespmem:v33+s9+$0x0], $0xffff;
	v35 =	vadd.f32 v56, v35  }
0x5f: {  	v62 =	vld.idx.msk [tilespmem:v34+s8+$0x0], $0xffff;
	v36 =	vadd.f32 v57, v36  }
0x60: {  	v63 =	vld.idx.msk [tilespmem:v34+s9+$0x0], $0xffff;
	v35 =	vadd.f32 v58, v35  }
0x61: {  	v36 =	vadd.f32 v59, v36  }
0x62: {  	v35 =	vadd.f32 v60, v35  }
0x63: {  	v36 =	vadd.f32 v61, v36  }
0x64: {  	v35 =	vadd.f32 v62, v35  }
0x65: {  	s11 =	sadd.s32 $0x1, s11;
	v36 =	vadd.f32 v63, v36  }
0x66: {  	p1 =	sne.s32 s11, s6;
	[tilespmem:$0x8110] =	vst v35  }
.Ltmp1:
0x67: {  	[tilespmem:$0x8130] =	vst v36;
	(pc) =	sbr.rel @!p1 .LBB2_9-.Ltmp1, $4  }
0x68: {  	[hbm4b:s5+s2] =	stream.linear.scatter [tilespmem:s10], [sflag:$0x1], $0x40, $0x38;
	[tilespmem:$0x8180] =	vst v63  }
0x69: {  	_ =	swait.ge [sflag:s7], $0x40  }
0x6a: {  	[sflag:s7] =	ssyncset.done $0x0  }
0x6b: {  	[sflag:s7] =	ssyncadd.s32 $0xFFFFFFC0  }
.LBB2_1:
0x6c: {  	[tilespmem:$0x7D00] =	vst v2  }
0x6d: {  	[tilespmem:$0x7F00] =	vst v2  }
0x6e: {  	[tilespmem:$0x7D10] =	vst v2  }
0x6f: {  	[tilespmem:$0x7F10] =	vst v2  }
0x70: {  	[tilespmem:$0x7D20] =	vst v2  }
0x71: {  	[tilespmem:$0x7F20] =	vst v2  }
0x72: {  	[tilespmem:$0x7D30] =	vst v2  }
0x73: {  	[tilespmem:$0x7F30] =	vst v2  }
0x74: {  	[tilespmem:$0x7D40] =	vst v2  }
0x75: {  	[tilespmem:$0x7F40] =	vst v2  }
0x76: {  	[tilespmem:$0x7D50] =	vst v2  }
0x77: {  	[tilespmem:$0x7F50] =	vst v2  }
0x78: {  	[tilespmem:$0x7D60] =	vst v2  }
0x79: {  	[tilespmem:$0x7F60] =	vst v2  }
0x7a: {  	[tilespmem:$0x7D70] =	vst v2  }
0x7b: {  	[tilespmem:$0x7F70] =	vst v2  }
0x7c: {  	[tilespmem:$0x7D80] =	vst v2  }
0x7d: {  	[tilespmem:$0x7F80] =	vst v2  }
0x7e: {  	[tilespmem:$0x7D90] =	vst v2  }
0x7f: {  	[tilespmem:$0x7F90] =	vst v2  }
0x80: {  	[tilespmem:$0x7DA0] =	vst v2  }
0x81: {  	[tilespmem:$0x7FA0] =	vst v2  }
0x82: {  	[tilespmem:$0x7DB0] =	vst v2  }
0x83: {  	[tilespmem:$0x7FB0] =	vst v2  }
0x84: {  	[tilespmem:$0x7DC0] =	vst v2  }
0x85: {  	[tilespmem:$0x7FC0] =	vst v2  }
0x86: {  	[tilespmem:$0x7DD0] =	vst v2  }
0x87: {  	[tilespmem:$0x7FD0] =	vst v2  }
0x88: {  	[tilespmem:$0x7DE0] =	vst v2  }
0x89: {  	[tilespmem:$0x7FE0] =	vst v2  }
0x8a: {  	[tilespmem:$0x7DF0] =	vst v2  }
0x8b: {  	[tilespmem:$0x7FF0] =	vst v2  }
0x8c: {  	[tilespmem:$0x7E00] =	vst v2  }
0x8d: {  	[tilespmem:$0x8000] =	vst v2  }
0x8e: {  	[tilespmem:$0x7E10] =	vst v2  }
0x8f: {  	[tilespmem:$0x8010] =	vst v2  }
0x90: {  	[tilespmem:$0x7E20] =	vst v2  }
0x91: {  	[tilespmem:$0x8020] =	vst v2  }
0x92: {  	[tilespmem:$0x7E30] =	vst v2  }
0x93: {  	[tilespmem:$0x8030] =	vst v2  }
0x94: {  	[tilespmem:$0x7E40] =	vst v2  }
0x95: {  	[tilespmem:$0x8040] =	vst v2  }
0x96: {  	[tilespmem:$0x7E50] =	vst v2  }
0x97: {  	[tilespmem:$0x8050] =	vst v2  }
0x98: {  	[tilespmem:$0x7E60] =	vst v2  }
0x99: {  	[tilespmem:$0x8060] =	vst v2  }
0x9a: {  	[tilespmem:$0x7E70] =	vst v2  }
0x9b: {  	[tilespmem:$0x8070] =	vst v2  }
0x9c: {  	[tilespmem:$0x7E80] =	vst v2  }
0x9d: {  	[tilespmem:$0x8080] =	vst v2  }
0x9e: {  	[tilespmem:$0x7E90] =	vst v2  }
0x9f: {  	[tilespmem:$0x8090] =	vst v2  }
0xa0: {  	[tilespmem:$0x7EA0] =	vst v2  }
0xa1: {  	[tilespmem:$0x80A0] =	vst v2  }
0xa2: {  	[tilespmem:$0x7EB0] =	vst v2  }
0xa3: {  	[tilespmem:$0x80B0] =	vst v2  }
0xa4: {  	[tilespmem:$0x7EC0] =	vst v2  }
0xa5: {  	[tilespmem:$0x80C0] =	vst v2  }
0xa6: {  	[tilespmem:$0x7ED0] =	vst v2  }
.Ltmp2:
0xa7: {  	[tilespmem:$0x80D0] =	vst v2;
	(pc) =	sbr.rel @!p0 .LBB2_2-.Ltmp2, $4  }
0xa8: {  	[tilespmem:$0x7EE0] =	vst v2  }
0xa9: {  	[tilespmem:$0x80E0] =	vst v2  }
0xaa: {  	[tilespmem:$0x7EF0] =	vst v2  }
0xab: {  	[tilespmem:$0x80F0] =	vst v2;
	s12 =	simm.s32 $0x0  }
0xac: {  	[tilespmem:s12], [sflag:$0x1] =	stream.linear.gather [hbm4b:s4+s12], $0x1F40, $0x38;
	[tilespmem:$0x8180] =	vst v63  }
0xad: {  	_ =	swait.ge [sflag:s7], $0x1F40  }
0xae: {  	[sflag:s7] =	ssyncset.done $0x0  }
0xaf: {  	s31 =	simm.s32 $0x0;
	[sflag:s7] =	ssyncadd.s32 $0xFFFFE0C0  }
0xb0: {  	v36 =	vld [tilespmem:s31+$0x0];
	_ =	sdelay $0x4  }
0xb1: {  	v35 =	vtrunc.f32 v36  }
0xb2: {  	v37 =	vcvt.f32.s32 v35;
	_ =	sdelay $0x1  }
0xb3: {  	v35 =	vshll.u32 v37, $0x4  }
0xb4: {  	v35 =	vor.u32 v0, v35;
	_ =	sdelay $0x2  }
0xb5: {  	v37 =	vcvt.s32.f32 v37;
	_ =	sdelay $0x1  }
0xb6: {  	s12 =	simm.s32 $0x40;
	s13 =	simm.s32 $0x80;
	v36 =	vsub.f32 v36, v37;
	[tilespmem:v35+s8+$0x0] =	vst.idx.add.f32.msk $0xffff, v3  }
.LBB2_6:
0xb7: {  	p1 =	sne.s32 s13, $0x7CC0  }
0xb8: {  	s14 =	sshra.s32 s12, $0x2;
	[tilespmem:v35+s9+$0x0] =	vst.idx.add.f32.msk $0xffff, v36;
	s12 =	smov.u32 s13;
	s13 =	sadd.s32 $0x40, s13  }
0xb9: {  	v36 =	vld [tilespmem:s14+$0x0];
	_ =	sdelay $0x4  }
0xba: {  	v35 =	vtrunc.f32 v36  }
0xbb: {  	v35 =	vcvt.f32.s32 v35;
	_ =	sdelay $0x1  }
0xbc: {  	v37 =	vcvt.s32.f32 v35;
	v35 =	vshll.u32 v35, $0x4  }
0xbd: {  	v35 =	vor.u32 v0, v35  }
.Ltmp3:
0xbe: {  	v36 =	vsub.f32 v36, v37;
	(pc) =	sbr.rel @p1 .LBB2_6-.Ltmp3, $2  }
0xbf: {  	_ =	sdelay $0x2  }
0xc0: {  	[tilespmem:v35+s8+$0x0] =	vst.idx.add.f32.msk $0xffff, v3  }
.Ltmp4:
0xc1: {  	_ = 	snop;
	(pc) =	sbr.rel .LBB2_7-.Ltmp4, $1  }
0xc2: {  	_ =	sdelay $0x3  }
.LBB2_2:
0xc3: {  	[tilespmem:s12], [sflag:$0x1] =	stream.linear.gather [hbm4b:s3+s12], $0x7D00, $0x38;
	[tilespmem:$0x8180] =	vst v63  }
0xc4: {  	_ =	swait.ge [sflag:s7], $0x7D00  }
0xc5: {  	[sflag:s7] =	ssyncset.done $0x0  }
0xc6: {  	s31 =	simm.s32 $0x0;
	[sflag:s7] =	ssyncadd.s32 $0xFFFF8300  }
0xc7: {  	v36 =	vld [tilespmem:s31+$0x0];
	_ =	sdelay $0x4  }
0xc8: {  	v35 =	vtrunc.f32 v36  }
0xc9: {  	v37 =	vcvt.f32.s32 v35;
	_ =	sdelay $0x1  }
0xca: {  	v35 =	vshll.u32 v37, $0x4  }
0xcb: {  	v35 =	vor.u32 v0, v35;
	_ =	sdelay $0x2  }
0xcc: {  	v37 =	vcvt.s32.f32 v37;
	_ =	sdelay $0x1  }
0xcd: {  	s12 =	simm.s32 $0x40;
	s13 =	simm.s32 $0x80;
	v36 =	vsub.f32 v36, v37;
	[tilespmem:v35+s8+$0x0] =	vst.idx.add.f32.msk $0xffff, v3  }
.LBB2_3:
0xce: {  	p1 =	seq.s32 s13, $0x1F3C0  }
0xcf: {  	s14 =	sshra.s32 s12, $0x2;
	[tilespmem:v35+s9+$0x0] =	vst.idx.add.f32.msk $0xffff, v36;
	s12 =	smov.u32 s13;
	s13 =	sadd.s32 $0x40, s13  }
0xd0: {  	v36 =	vld [tilespmem:s14+$0x0];
	_ =	sdelay $0x4  }
0xd1: {  	v35 =	vtrunc.f32 v36  }
0xd2: {  	v35 =	vcvt.f32.s32 v35;
	_ =	sdelay $0x1  }
0xd3: {  	v37 =	vcvt.s32.f32 v35;
	v35 =	vshll.u32 v35, $0x4  }
0xd4: {  	v35 =	vor.u32 v0, v35  }
.Ltmp5:
0xd5: {  	v36 =	vsub.f32 v36, v37;
	(pc) =	sbr.rel @!p1 .LBB2_3-.Ltmp5, $2  }
0xd6: {  	_ =	sdelay $0x2  }
0xd7: {  	[tilespmem:v35+s8+$0x0] =	vst.idx.add.f32.msk $0xffff, v3  }
0xd8: {  	_ =	sdelay $0x3  }
0xd9: {  	s12 =	sshra.s32 s12, $0x2;
	[tilespmem:v35+s9+$0x0] =	vst.idx.add.f32.msk $0xffff, v36  }
0xda: {  	v35 =	vld [tilespmem:s12+$0x0];
	_ =	sdelay $0x4  }
0xdb: {  	v63 =	vtrunc.f32 v35  }
0xdc: {  	v36 =	vcvt.f32.s32 v63;
	_ =	sdelay $0x1  }
0xdd: {  	v37 =	vshll.u32 v36, $0x4  }
0xde: {  	v37 =	vor.u32 v0, v37;
	_ =	sdelay $0x1  }
.Ltmp6:
0xdf: {  	v36 =	vcvt.s32.f32 v36;
	(pc) =	sbr.rel .LBB2_8-.Ltmp6, $4  }
0xe0: {  	_ = 	snop  }
0xe1: {  	v35 =	vsub.f32 v35, v36  }
0xe2: {  	[tilespmem:v37+s8+$0x0] =	vst.idx.add.f32.msk $0xffff, v3  }
0xe3: {  	[tilespmem:v37+s9+$0x0] =	vst.idx.add.f32.msk $0xffff, v35  }
.LBB2_9:
0xe4: {  	_ =	sfence.sel $0x180000  }
0xe5: {  	[bflag:$0x0] =	sbarrier.arrive $0xFFFF  }
0xe6: {  	p0 =	sne.s32 s0, $0x0;
	_ =	strace $0x90000047  }
0xe7: {  	s0 =	sadd.s32 @!p0 $0x100000, s1;
	[bflag:$0x2] =	sbarrier.arrive $0xFFFF  }
0xe8: {  	[sflag:s0] =	ssyncadd.tile.s32 @!p0 $0x1;
	_ =	shalt  }
.Lfunc_end2:
_tile_overlayer_lowered:
.L_overlay_start_2:
0xe9: {  	(tag) =	ssettag $0x2  }
0xea: {  	s0 =	rddreg [dreg:$0x0];
	s2 =	stileid.u32  }
0xeb: {  	s1 =	rddreg [dreg:$0x1];
	p0 =	sne.s32 s2, $0x0  }
0xec: {  	s3 =	rddreg [dreg:$0x2];
	[bflag:$0x3] =	sbarrier.arrive $0xFFFF;
	s2 =	simm.s32 @!p0 $0x1C01  }
0xed: {  	[timem:s3], [sflag:s2] =	dma.local @!p0 [hbm:s0], s1  }
0xee: {  	s0 =	simm.s32 @!p0 $0x1  }
0xef: {  	_ =	swait.ge @!p0 [sflag:s0], s1  }
0xf0: {  	s1 =	ssub.s32 @!p0 $0x0, s1;
	[sflag:s0] =	ssyncset.done @!p0 $0x0  }
0xf1: {  	[sflag:s0] =	ssyncadd.s32 @!p0 s1  }
0xf2: {  	[bflag:$0x3] =	sbarrier.arrive $0xFFFF  }
0xf3: {  	_ =	shalt  }

</sc_bundles>
